<compile_context>
chip_gen: v7x
topology: tpu7x:2x2x1
jax: 0.10.2.dev20260603
libtpu: 0.0.44.dev20260713+nightly
codegen_flags: <defaults>
</compile_context>

<pallas_src>
import jax
import jax.numpy as jnp
from jax import lax
from jax.experimental import pallas as pl
from jax.experimental.pallas import tpu as pltpu
from jax.experimental.pallas import tpu_sc as plsc

B = 16
P = 512 * 512
NB = 8192
T = 8.0
NW = 32
NR = 8192
NC = 512
RW = NR // NW
RB = 16
NCH = RW // RB
CHW = RB * NC
ROW = 4 * NB + 16
HTAB = 4 * NB
SCALE = NB / T


def _sc_hist_body(logits_hbm, labels_hbm, out_hbm, hist, lb0, lb1, gb0, gb1,
                  sl0, sg0, sl1, sg1):
    w = lax.axis_index("s") * 2 + lax.axis_index("c")
    img = w % B
    half = w // B
    r0 = img * (NR // B) + half * RW

    @plsc.parallel_loop(0, 2 * HTAB, 16, unroll=8)
    def _(i):
        hist[pl.ds(i, 16)] = jnp.zeros((16,), jnp.float32)

    loff = lax.shift_left(lax.bitwise_and(
        lax.broadcasted_iota(jnp.int32, (16,), 0), 1), 15)

    def start_copy(ci, lbuf, gbuf, seml, semg):
        rows = pl.ds(r0 + ci * RB, RB)
        pltpu.make_async_copy(logits_hbm.at[rows], lbuf, seml).start()
        pltpu.make_async_copy(labels_hbm.at[rows], gbuf, semg).start()

    def wait_copy(ci, lbuf, gbuf, seml, semg):
        rows = pl.ds(r0 + ci * RB, RB)
        pltpu.make_async_copy(logits_hbm.at[rows], lbuf, seml).wait()
        pltpu.make_async_copy(labels_hbm.at[rows], gbuf, semg).wait()

    def process(lbuf, gbuf, acc):
        def body(off, acc):
            r = lax.shift_right_logical(off, 9)
            c = lax.bitwise_and(off, NC - 1)
            lv = lbuf[r, pl.ds(c, 16)]
            gv = gbuf[r, pl.ds(c, 16)]
            gf = gv.astype(jnp.float32)
            e = 1.0 - lv * (2.0 * gf - 1.0)
            m = e > 0.0
            ki = jnp.clip((e * SCALE).astype(jnp.int32), 0, NB - 1)
            idx = lax.shift_left(gv, 13) + ki + loff
            plsc.addupdate_scatter(hist, [idx], jnp.ones((16,), jnp.float32),
                                   mask=m)
            plsc.addupdate_scatter(hist, [idx + 2 * NB], e, mask=m)
            return acc + gf

        return plsc.parallel_loop(0, CHW, 16, unroll=8, carry=acc)(body)

    start_copy(0, lb0, gb0, sl0, sg0)

    def pair_body(ii, acc):
        c0 = 2 * ii
        start_copy(c0 + 1, lb1, gb1, sl1, sg1)
        wait_copy(c0, lb0, gb0, sl0, sg0)
        acc = process(lb0, gb0, acc)

        @pl.when(ii < NCH // 2 - 1)
        def _():
            start_copy(c0 + 2, lb0, gb0, sl0, sg0)

        wait_copy(c0 + 1, lb1, gb1, sl1, sg1)
        return process(lb1, gb1, acc)

    acc = lax.fori_loop(0, NCH // 2, pair_body, jnp.zeros((16,), jnp.float32))

    @plsc.parallel_loop(0, HTAB, 16, unroll=8)
    def _(i):
        hist[pl.ds(i, 16)] = hist[pl.ds(i, 16)] + hist[pl.ds(HTAB + i, 16)]

    hist[pl.ds(4 * NB, 16)] = acc
    pltpu.sync_copy(hist.at[pl.ds(0, ROW)], out_hbm.at[pl.ds(w * ROW, ROW)])


_sc_hist = pl.kernel(
    _sc_hist_body,
    mesh=plsc.VectorSubcoreMesh(core_axis_name="c", subcore_axis_name="s",
                                num_cores=2, num_subcores=16),
    out_type=jax.ShapeDtypeStruct((NW * ROW,), jnp.float32),
    scratch_types=[
        pltpu.VMEM((2 * HTAB,), jnp.float32),
        pltpu.VMEM((RB, NC), jnp.float32),
        pltpu.VMEM((RB, NC), jnp.float32),
        pltpu.VMEM((RB, NC), jnp.int32),
        pltpu.VMEM((RB, NC), jnp.int32),
        pltpu.SemaphoreType.DMA,
        pltpu.SemaphoreType.DMA,
        pltpu.SemaphoreType.DMA,
        pltpu.SemaphoreType.DMA,
    ],
    compiler_params=pltpu.CompilerParams(needs_layout_passes=False,
                                         use_tc_tiling_on_sc=True),
)


def _cumsum_lanes(x):
    s = 1
    while s < NB:
        pad = jnp.zeros((B, s), jnp.float32)
        x = x + jnp.concatenate([pad, x[:, :NB - s]], axis=1)
        s *= 2
    return x


def _tc_reduce_body(n0_ref, n1_ref, s0_ref, s1_ref, ac_ref, out_ref):
    n0 = n0_ref[:B, :] + n0_ref[B:, :]
    n1 = n1_ref[:B, :] + n1_ref[B:, :]
    s0 = s0_ref[:B, :] + s0_ref[B:, :]
    s1 = s1_ref[:B, :] + s1_ref[B:, :]
    G = jnp.sum(ac_ref[:B, :] + ac_ref[B:, :], axis=1, keepdims=True)
    G2 = float(P) - G

    S1 = _cumsum_lanes(n1)
    S0 = _cumsum_lanes(n0)
    C_above = S1[:, NB - 1:] - S1
    Z_above = S0[:, NB - 1:] - S0

    avg0 = jnp.where(n0 > 0, s0 / jnp.maximum(n0, 1.0), 0.0)
    avg1 = jnp.where(n1 > 0, s1 / jnp.maximum(n1, 1.0), 0.0)

    UA = G + Z_above
    UAn = UA + n0
    invA = jnp.where(UA > 0, 1.0 / jnp.maximum(UA, 1.0), 0.0)
    invAn = jnp.where(UAn > 0, 1.0 / jnp.maximum(UAn, 1.0), 0.0)
    lossA = jnp.sum(s1 * invA + avg0 * (G - C_above - n1) * (invA - invAn),
                    axis=1, keepdims=True)

    UB = G2 + C_above
    UBn = UB + n1
    invB = jnp.where(UB > 0, 1.0 / jnp.maximum(UB, 1.0), 0.0)
    invBn = jnp.where(UBn > 0, 1.0 / jnp.maximum(UBn, 1.0), 0.0)
    lossB = jnp.sum(s0 * invB + avg1 * (G2 - Z_above - n0) * (invB - invBn),
                    axis=1, keepdims=True)

    kk = lax.broadcasted_iota(jnp.int32, (B, NB), 1).astype(jnp.float32)
    est = jnp.max(jnp.where(n0 + n1 > 0, (kk + 1.0) * (T / NB), 0.0),
                  axis=1, keepdims=True)
    lossA = jnp.where(G > 0, lossA, est)
    lossB = jnp.where(G2 > 0, lossB, est)

    tot = jnp.sum((lossA + lossB) * 0.5, axis=0, keepdims=True) / float(B)
    out_ref[...] = tot


def kernel(logits, labels):
    flat = _sc_hist(logits.reshape(NR, NC), labels.reshape(NR, NC))
    hist = flat.reshape(NW, ROW)
    n0 = hist[:, 0:NB]
    n1 = hist[:, NB:2 * NB]
    s0 = hist[:, 2 * NB:3 * NB]
    s1 = hist[:, 3 * NB:4 * NB]
    ac = hist[:, 4 * NB:]
    loss = pl.pallas_call(
        _tc_reduce_body,
        out_shape=jax.ShapeDtypeStruct((1, 1), jnp.float32),
    )(n0, n1, s0, s1, ac)
    return loss[0, 0]

# --- scband reference (transcript-rebuilt; emitter-appended) ---
"""Pipeline reference for scband-symmetric-lovasz-loss-68161130987926 (READ-ONLY COPY).

The authoritative reference and input builder live on the scoring server;
editing this copy changes nothing except your own understanding.
"""

import jax, jax.numpy as jnp
import numpy as np


def lovasz_grad(gt_sorted):
    # gt_sorted: float32 [P], sorted ground-truth by descending error
    gts = jnp.sum(gt_sorted)
    intersection = gts - jnp.cumsum(gt_sorted)
    union = gts + jnp.cumsum(1.0 - gt_sorted)
    jaccard = 1.0 - intersection / union
    jaccard = jnp.concatenate([jaccard[:1], jaccard[1:] - jaccard[:-1]])
    return jaccard


def lovasz_hinge_flat(logits, labels):
    # logits: float32 [P], labels: float32 [P] in {0,1}
    signs = 2.0 * labels - 1.0
    errors = 1.0 - logits * signs
    perm = jnp.argsort(-errors)  # descending sort of errors
    errors_sorted = errors[perm]
    gt_sorted = labels[perm]
    grad = jax.lax.stop_gradient(lovasz_grad(gt_sorted))
    return jnp.dot(jax.nn.relu(errors_sorted), grad)


def lovasz_hinge(logits, labels):
    # per-image lovasz hinge, averaged over batch
    B = logits.shape[0]
    lf = logits.reshape(B, -1)
    lb = labels.reshape(B, -1)
    losses = jax.vmap(lovasz_hinge_flat)(lf, lb)
    return jnp.mean(losses)


def setup_inputs(seed: int = 0):
    key = jax.random.key(seed)
    k1, k2 = jax.random.split(key)
    logits = jax.random.normal(k1, (16, 512, 512), dtype=jnp.float32)
    labels = jax.random.randint(k2, (16, 512, 512), 0, 2, dtype=jnp.int32)
    return {"logits": logits, "labels": labels}


def reference(logits, labels):
    lab = labels.astype(jnp.float32)
    loss = (lovasz_hinge(logits, lab) + lovasz_hinge(-logits, 1.0 - lab)) / 2.0
    return loss

if __name__ == "__main__":
    import jax
    _d = setup_inputs()
    print(jax.jit(kernel)(*tuple(_d.values())))

</pallas_src>

<mosaic_0001>
#map = affine_map<(d0, d1) -> (0, 0)>
#map1 = affine_map<(d0, d1) -> (0)>
module attributes {stable_mosaic.version = 14 : i64} {
  func.func @_sc_hist_body(%arg0: i32, %arg1: i32, %arg2: memref<8192x512xf32, #tpu.memory_space<hbm>>, %arg3: memref<8192x512xi32, #tpu.memory_space<hbm>>, %arg4: memref<1049088xf32, #tpu.memory_space<hbm>>, %arg5: memref<65536xf32, #tpu.memory_space<vmem>>, %arg6: memref<16x512xf32, #tpu.memory_space<vmem>>, %arg7: memref<16x512xf32, #tpu.memory_space<vmem>>, %arg8: memref<16x512xi32, #tpu.memory_space<vmem>>, %arg9: memref<16x512xi32, #tpu.memory_space<vmem>>, %arg10: memref<!tpu.dma_semaphore, #tpu.memory_space<semaphore_mem>>, %arg11: memref<!tpu.dma_semaphore, #tpu.memory_space<semaphore_mem>>, %arg12: memref<!tpu.dma_semaphore, #tpu.memory_space<semaphore_mem>>, %arg13: memref<!tpu.dma_semaphore, #tpu.memory_space<semaphore_mem>>) attributes {dimension_semantics = [#tpu.dimension_semantics<core_parallel>, #tpu.dimension_semantics<subcore_parallel>], iteration_bounds = array<i64: 2, 16>, scalar_prefetch = 0 : i64, scratch_operands = 9 : i64, tpu.core_type = #tpu.core_type<sc_vector_subcore>, window_params = [{transform_indices = #map}, {transform_indices = #map}, {transform_indices = #map1}]} {
    %mul3A = arith.constant 2 : i32
    %mul3A_0 = arith.muli %arg1, %mul3A : i32
    %add3A = arith.addi %mul3A_0, %arg0 : i32
    %jit3A = arith.constant 16 : i32
    %eq3A = arith.constant 0 : i32
    %eq3A_1 = arith.cmpi eq, %jit3A, %eq3A : i32
    %jit3A_2 = arith.constant 1 : i32
    %select_n3A = arith.select %eq3A_1, %jit3A_2, %jit3A : i32
    %rem3A = arith.remsi %add3A, %select_n3A : i32
    %ne3A = arith.constant 0 : i32
    %ne3A_3 = arith.cmpi ne, %rem3A, %ne3A : i32
    %lt3A = arith.constant 0 : i32
    %lt3A_4 = arith.cmpi slt, %rem3A, %lt3A : i32
    %lt3A_5 = arith.constant 0 : i32
    %lt3A_6 = arith.cmpi slt, %select_n3A, %lt3A_5 : i32
    %ne3A_7 = arith.xori %lt3A_4, %lt3A_6 : i1
    %and3A = arith.andi %ne3A_7, %ne3A_3 : i1
    %add3A_8 = arith.addi %rem3A, %select_n3A : i32
    %select_n3A_9 = arith.select %and3A, %add3A_8, %rem3A : i32
    %jit3A_10 = arith.constant 16 : i32
    %div3A = arith.divsi %add3A, %jit3A_10 : i32
    %sign3A = arith.constant 0 : i32
    %sign3A_11 = arith.cmpi sgt, %add3A, %sign3A : i32
    %sign3A_12 = arith.extui %sign3A_11 : i1 to i32
    %sign3A_13 = arith.constant 0 : i32
    %sign3A_14 = arith.cmpi slt, %add3A, %sign3A_13 : i32
    %sign3A_15 = arith.extui %sign3A_14 : i1 to i32
    %sign3A_16 = arith.subi %sign3A_12, %sign3A_15 : i32
    %sign3A_17 = arith.constant 0 : i32
    %sign3A_18 = arith.cmpi sgt, %jit3A_10, %sign3A_17 : i32
    %sign3A_19 = arith.extui %sign3A_18 : i1 to i32
    %sign3A_20 = arith.constant 0 : i32
    %sign3A_21 = arith.cmpi slt, %jit3A_10, %sign3A_20 : i32
    %sign3A_22 = arith.extui %sign3A_21 : i1 to i32
    %sign3A_23 = arith.subi %sign3A_19, %sign3A_22 : i32
    %ne3A_24 = arith.cmpi ne, %sign3A_16, %sign3A_23 : i32
    %rem3A_25 = arith.remsi %add3A, %jit3A_10 : i32
    %ne3A_26 = arith.constant 0 : i32
    %ne3A_27 = arith.cmpi ne, %rem3A_25, %ne3A_26 : i32
    %and3A_28 = arith.andi %ne3A_24, %ne3A_27 : i1
    %sub3A = arith.constant 1 : i32
    %sub3A_29 = arith.subi %div3A, %sub3A : i32
    %select_n3A_30 = arith.select %and3A_28, %sub3A_29, %div3A : i32
    %mul3A_31 = arith.constant 512 : i32
    %mul3A_32 = arith.muli %select_n3A_9, %mul3A_31 : i32
    %mul3A_33 = arith.constant 256 : i32
    %mul3A_34 = arith.muli %select_n3A_30, %mul3A_33 : i32
    %add3A_35 = arith.addi %mul3A_32, %mul3A_34 : i32
    %parallel_loop3A = arith.constant 0 : i32
    %parallel_loop3A_36 = arith.constant 65536 : i32
    %parallel_loop3A_37 = arith.constant 16 : i32
    scf.for %parallel_loop3A_64 = %parallel_loop3A to %parallel_loop3A_36 step %parallel_loop3A_37  : i32 {
      %parallel_loop3A_65 = arith.constant 0.000000e+00 : f32
      %parallel_loop3A_66 = vector.broadcast %parallel_loop3A_65 : f32 to vector<16xf32>
      %parallel_loop3A_67 = arith.index_cast %parallel_loop3A_64 : i32 to index
      %parallel_loop3A_68 = tpu.vector_load %arg5[%parallel_loop3A_67] {strides = array<i32>} : memref<65536xf32, #tpu.memory_space<vmem>>, vector<16xf32>,
      tpu.vector_store %arg5[%parallel_loop3A_67], %parallel_loop3A_66 {strides = array<i32>} : memref<65536xf32, #tpu.memory_space<vmem>>, vector<16xf32>,
    } {sc.loop_unroll_factor = 8 : i64, sc.parallel_access}
    %iota3A = tpu.iota {dimensions = array<i32: 0>} : vector<16xi32>
    %and3A_38 = arith.constant 1 : i32
    %and3A_39 = vector.broadcast %and3A_38 : i32 to vector<16xi32>
    %and3A_40 = arith.andi %iota3A, %and3A_39 : vector<16xi32>
    %shift_left3A = arith.constant 15 : i32
    %shift_left3A_41 = vector.broadcast %shift_left3A : i32 to vector<16xi32>
    %shift_left3A_42 = arith.shli %and3A_40, %shift_left3A_41 : vector<16xi32>
    %add3A_43 = arith.constant 0 : i32
    %add3A_44 = arith.addi %add3A_35, %add3A_43 : i32
    %dma_start3A = arith.constant 0 : i32
    %dma_start3A_45 = tpu.memref_slice %arg2[%add3A_44, %dma_start3A] : memref<8192x512xf32, #tpu.memory_space<hbm>> -> memref<16x512xf32, #tpu.memory_space<hbm>>
    %dma_start3A_46 = arith.constant 0 : i32
    %dma_start3A_47 = tpu.memref_slice %arg2[%add3A_44, %dma_start3A_46] : memref<8192x512xf32, #tpu.memory_space<hbm>> -> memref<16x512xf32, #tpu.memory_space<hbm>>
    tpu.enqueue_dma source(%dma_start3A_47 : memref<16x512xf32, #tpu.memory_space<hbm>>) target(%arg6 : memref<16x512xf32, #tpu.memory_space<vmem>>) target_semaphore(%arg10 : memref<!tpu.dma_semaphore, #tpu.memory_space<semaphore_mem>>)
    %dma_start3A_48 = arith.constant 0 : i32
    %dma_start3A_49 = tpu.memref_slice %arg3[%add3A_44, %dma_start3A_48] : memref<8192x512xi32, #tpu.memory_space<hbm>> -> memref<16x512xi32, #tpu.memory_space<hbm>>
    %dma_start3A_50 = arith.constant 0 : i32
    %dma_start3A_51 = tpu.memref_slice %arg3[%add3A_44, %dma_start3A_50] : memref<8192x512xi32, #tpu.memory_space<hbm>> -> memref<16x512xi32, #tpu.memory_space<hbm>>
    tpu.enqueue_dma source(%dma_start3A_51 : memref<16x512xi32, #tpu.memory_space<hbm>>) target(%arg8 : memref<16x512xi32, #tpu.memory_space<vmem>>) target_semaphore(%arg11 : memref<!tpu.dma_semaphore, #tpu.memory_space<semaphore_mem>>)
    %broadcast_in_dim3A = arith.constant 0.000000e+00 : f32
    %broadcast_in_dim3A_52 = vector.broadcast %broadcast_in_dim3A : f32 to vector<16xf32>
    %scan3A = arith.constant 0 : i32
    %scan3A_53 = arith.constant 8 : i32
    %scan3A_54 = arith.addi %scan3A, %scan3A_53 : i32
    %scan3A_55 = arith.constant 1 : i32
    %scan3A_56 = scf.for %scan3A_64 = %scan3A to %scan3A_54 step %scan3A_55 iter_args(%scan3A_65 = %broadcast_in_dim3A_52) -> (vector<16xf32>)  : i32 {
      %mul3A_66 = arith.constant 2 : i32
      %mul3A_67 = arith.muli %mul3A_66, %scan3A_64 : i32
      %add3A_68 = arith.constant 1 : i32
      %add3A_69 = arith.addi %mul3A_67, %add3A_68 : i32
      %mul3A_70 = arith.constant 16 : i32
      %mul3A_71 = arith.muli %add3A_69, %mul3A_70 : i32
      %add3A_72 = arith.addi %add3A_35, %mul3A_71 : i32
      %dma_start3A_73 = arith.constant 0 : i32
      %dma_start3A_74 = tpu.memref_slice %arg2[%add3A_72, %dma_start3A_73] : memref<8192x512xf32, #tpu.memory_space<hbm>> -> memref<16x512xf32, #tpu.memory_space<hbm>>
      %dma_start3A_75 = arith.constant 0 : i32
      %dma_start3A_76 = tpu.memref_slice %arg2[%add3A_72, %dma_start3A_75] : memref<8192x512xf32, #tpu.memory_space<hbm>> -> memref<16x512xf32, #tpu.memory_space<hbm>>
      tpu.enqueue_dma source(%dma_start3A_76 : memref<16x512xf32, #tpu.memory_space<hbm>>) target(%arg7 : memref<16x512xf32, #tpu.memory_space<vmem>>) target_semaphore(%arg12 : memref<!tpu.dma_semaphore, #tpu.memory_space<semaphore_mem>>)
      %dma_start3A_77 = arith.constant 0 : i32
      %dma_start3A_78 = tpu.memref_slice %arg3[%add3A_72, %dma_start3A_77] : memref<8192x512xi32, #tpu.memory_space<hbm>> -> memref<16x512xi32, #tpu.memory_space<hbm>>
      %dma_start3A_79 = arith.constant 0 : i32
      %dma_start3A_80 = tpu.memref_slice %arg3[%add3A_72, %dma_start3A_79] : memref<8192x512xi32, #tpu.memory_space<hbm>> -> memref<16x512xi32, #tpu.memory_space<hbm>>
      tpu.enqueue_dma source(%dma_start3A_80 : memref<16x512xi32, #tpu.memory_space<hbm>>) target(%arg9 : memref<16x512xi32, #tpu.memory_space<vmem>>) target_semaphore(%arg13 : memref<!tpu.dma_semaphore, #tpu.memory_space<semaphore_mem>>)
      %mul3A_81 = arith.constant 16 : i32
      %mul3A_82 = arith.muli %mul3A_67, %mul3A_81 : i32
      %add3A_83 = arith.addi %add3A_35, %mul3A_82 : i32
      %dma_wait3A = arith.constant 0 : i32
      %dma_wait3A_84 = tpu.memref_slice %arg2[%add3A_83, %dma_wait3A] : memref<8192x512xf32, #tpu.memory_space<hbm>> -> memref<16x512xf32, #tpu.memory_space<hbm>>
      %dma_wait3A_85 = arith.constant 0 : i32
      %dma_wait3A_86 = tpu.memref_slice %arg2[%add3A_83, %dma_wait3A_85] : memref<8192x512xf32, #tpu.memory_space<hbm>> -> memref<16x512xf32, #tpu.memory_space<hbm>>
      tpu.wait_dma2 semaphore(%arg10 : memref<!tpu.dma_semaphore, #tpu.memory_space<semaphore_mem>>) src(%dma_wait3A_86 : memref<16x512xf32, #tpu.memory_space<hbm>>) dst(%arg6 : memref<16x512xf32, #tpu.memory_space<vmem>>)
      %dma_wait3A_87 = arith.constant 0 : i32
      %dma_wait3A_88 = tpu.memref_slice %arg3[%add3A_83, %dma_wait3A_87] : memref<8192x512xi32, #tpu.memory_space<hbm>> -> memref<16x512xi32, #tpu.memory_space<hbm>>
      %dma_wait3A_89 = arith.constant 0 : i32
      %dma_wait3A_90 = tpu.memref_slice %arg3[%add3A_83, %dma_wait3A_89] : memref<8192x512xi32, #tpu.memory_space<hbm>> -> memref<16x512xi32, #tpu.memory_space<hbm>>
      tpu.wait_dma2 semaphore(%arg11 : memref<!tpu.dma_semaphore, #tpu.memory_space<semaphore_mem>>) src(%dma_wait3A_90 : memref<16x512xi32, #tpu.memory_space<hbm>>) dst(%arg8 : memref<16x512xi32, #tpu.memory_space<vmem>>)
      %parallel_loop3A_91 = arith.constant 0 : i32
      %parallel_loop3A_92 = arith.constant 8192 : i32
      %parallel_loop3A_93 = arith.constant 16 : i32
      %parallel_loop3A_94 = scf.for %parallel_loop3A_115 = %parallel_loop3A_91 to %parallel_loop3A_92 step %parallel_loop3A_93 iter_args(%parallel_loop3A_116 = %scan3A_65) -> (vector<16xf32>)  : i32 {
        %parallel_loop3A_117 = arith.constant 9 : i32
        %parallel_loop3A_118 = arith.shrui %parallel_loop3A_115, %parallel_loop3A_117 : i32
        %parallel_loop3A_119 = arith.constant 511 : i32
        %parallel_loop3A_120 = arith.andi %parallel_loop3A_115, %parallel_loop3A_119 : i32
        %parallel_loop3A_121 = arith.index_cast %parallel_loop3A_118 : i32 to index
        %parallel_loop3A_122 = arith.index_cast %parallel_loop3A_120 : i32 to index
        %parallel_loop3A_123 = tpu.vector_load %arg6[%parallel_loop3A_121, %parallel_loop3A_122] {strides = array<i32>} : memref<16x512xf32, #tpu.memory_space<vmem>>, vector<16xf32>,
        %parallel_loop3A_124 = arith.index_cast %parallel_loop3A_118 : i32 to index
        %parallel_loop3A_125 = arith.index_cast %parallel_loop3A_120 : i32 to index
        %parallel_loop3A_126 = tpu.vector_load %arg8[%parallel_loop3A_124, %parallel_loop3A_125] {strides = array<i32>} : memref<16x512xi32, #tpu.memory_space<vmem>>, vector<16xi32>,
        %parallel_loop3A_127 = arith.sitofp %parallel_loop3A_126 : vector<16xi32> to vector<16xf32>
        %parallel_loop3A_128 = arith.constant 2.000000e+00 : f32
        %parallel_loop3A_129 = vector.broadcast %parallel_loop3A_128 : f32 to vector<16xf32>
        %parallel_loop3A_130 = arith.mulf %parallel_loop3A_129, %parallel_loop3A_127 : vector<16xf32>
        %parallel_loop3A_131 = arith.constant 1.000000e+00 : f32
        %parallel_loop3A_132 = vector.broadcast %parallel_loop3A_131 : f32 to vector<16xf32>
        %parallel_loop3A_133 = arith.subf %parallel_loop3A_130, %parallel_loop3A_132 : vector<16xf32>
        %parallel_loop3A_134 = arith.mulf %parallel_loop3A_123, %parallel_loop3A_133 : vector<16xf32>
        %parallel_loop3A_135 = arith.constant 1.000000e+00 : f32
        %parallel_loop3A_136 = vector.broadcast %parallel_loop3A_135 : f32 to vector<16xf32>
        %parallel_loop3A_137 = arith.subf %parallel_loop3A_136, %parallel_loop3A_134 : vector<16xf32>
        %parallel_loop3A_138 = arith.constant 0.000000e+00 : f32
        %parallel_loop3A_139 = vector.broadcast %parallel_loop3A_138 : f32 to vector<16xf32>
        %parallel_loop3A_140 = arith.cmpf ogt, %parallel_loop3A_137, %parallel_loop3A_139 : vector<16xf32>
        %parallel_loop3A_141 = arith.constant 1.024000e+03 : f32
        %parallel_loop3A_142 = vector.broadcast %parallel_loop3A_141 : f32 to vector<16xf32>
        %parallel_loop3A_143 = arith.mulf %parallel_loop3A_137, %parallel_loop3A_142 : vector<16xf32>
        %parallel_loop3A_144 = arith.fptosi %parallel_loop3A_143 : vector<16xf32> to vector<16xi32>
        %parallel_loop3A_145 = arith.constant 0 : i32
        %parallel_loop3A_146 = arith.constant 8191 : i32
        %parallel_loop3A_147 = vector.broadcast %parallel_loop3A_145 : i32 to vector<16xi32>
        %parallel_loop3A_148 = arith.maxsi %parallel_loop3A_147, %parallel_loop3A_144 : vector<16xi32>
        %parallel_loop3A_149 = vector.broadcast %parallel_loop3A_146 : i32 to vector<16xi32>
        %parallel_loop3A_150 = arith.minsi %parallel_loop3A_149, %parallel_loop3A_148 : vector<16xi32>
        %parallel_loop3A_151 = arith.constant 13 : i32
        %parallel_loop3A_152 = vector.broadcast %parallel_loop3A_151 : i32 to vector<16xi32>
        %parallel_loop3A_153 = arith.shli %parallel_loop3A_126, %parallel_loop3A_152 : vector<16xi32>
        %parallel_loop3A_154 = arith.addi %parallel_loop3A_153, %parallel_loop3A_150 : vector<16xi32>
        %parallel_loop3A_155 = arith.addi %parallel_loop3A_154, %shift_left3A_42 : vector<16xi32>
        %parallel_loop3A_156 = arith.constant 1.000000e+00 : f32
        %parallel_loop3A_157 = vector.broadcast %parallel_loop3A_156 : f32 to vector<16xf32>
        tpu.vector_store_idx %arg5[%parallel_loop3A_155], %parallel_loop3A_157 masked %parallel_loop3A_140 {add = true} : memref<65536xf32, #tpu.memory_space<vmem>>[vector<16xi32>], vector<16xf32>, vector<16xi1>
        %parallel_loop3A_158 = arith.constant 16384 : i32
        %parallel_loop3A_159 = vector.broadcast %parallel_loop3A_158 : i32 to vector<16xi32>
        %parallel_loop3A_160 = arith.addi %parallel_loop3A_155, %parallel_loop3A_159 : vector<16xi32>
        tpu.vector_store_idx %arg5[%parallel_loop3A_160], %parallel_loop3A_137 masked %parallel_loop3A_140 {add = true} : memref<65536xf32, #tpu.memory_space<vmem>>[vector<16xi32>], vector<16xf32>, vector<16xi1>
        %parallel_loop3A_161 = arith.addf %parallel_loop3A_116, %parallel_loop3A_127 : vector<16xf32>
        scf.yield %parallel_loop3A_161 : vector<16xf32>
      } {sc.loop_unroll_factor = 8 : i64, sc.parallel_access}
      %lt3A_95 = arith.constant 7 : i32
      %lt3A_96 = arith.cmpi slt, %scan3A_64, %lt3A_95 : i32
      %convert_element_type3A = arith.extui %lt3A_96 : i1 to i32
      %cond3A = arith.constant 0 : i32
      %cond3A_97 = arith.cmpi ne, %convert_element_type3A, %cond3A : i32
      scf.if %cond3A_97 {
        %add3A_115 = arith.constant 2 : i32
        %add3A_116 = arith.addi %mul3A_67, %add3A_115 : i32
        %mul3A_117 = arith.constant 16 : i32
        %mul3A_118 = arith.muli %add3A_116, %mul3A_117 : i32
        %add3A_119 = arith.addi %add3A_35, %mul3A_118 : i32
        %dma_start3A_120 = arith.constant 0 : i32
        %dma_start3A_121 = tpu.memref_slice %arg2[%add3A_119, %dma_start3A_120] : memref<8192x512xf32, #tpu.memory_space<hbm>> -> memref<16x512xf32, #tpu.memory_space<hbm>>
        %dma_start3A_122 = arith.constant 0 : i32
        %dma_start3A_123 = tpu.memref_slice %arg2[%add3A_119, %dma_start3A_122] : memref<8192x512xf32, #tpu.memory_space<hbm>> -> memref<16x512xf32, #tpu.memory_space<hbm>>
        tpu.enqueue_dma source(%dma_start3A_123 : memref<16x512xf32, #tpu.memory_space<hbm>>) target(%arg6 : memref<16x512xf32, #tpu.memory_space<vmem>>) target_semaphore(%arg10 : memref<!tpu.dma_semaphore, #tpu.memory_space<semaphore_mem>>)
        %dma_start3A_124 = arith.constant 0 : i32
        %dma_start3A_125 = tpu.memref_slice %arg3[%add3A_119, %dma_start3A_124] : memref<8192x512xi32, #tpu.memory_space<hbm>> -> memref<16x512xi32, #tpu.memory_space<hbm>>
        %dma_start3A_126 = arith.constant 0 : i32
        %dma_start3A_127 = tpu.memref_slice %arg3[%add3A_119, %dma_start3A_126] : memref<8192x512xi32, #tpu.memory_space<hbm>> -> memref<16x512xi32, #tpu.memory_space<hbm>>
        tpu.enqueue_dma source(%dma_start3A_127 : memref<16x512xi32, #tpu.memory_space<hbm>>) target(%arg8 : memref<16x512xi32, #tpu.memory_space<vmem>>) target_semaphore(%arg11 : memref<!tpu.dma_semaphore, #tpu.memory_space<semaphore_mem>>)
      } else {
      }
      %add3A_98 = arith.constant 1 : i32
      %add3A_99 = arith.addi %mul3A_67, %add3A_98 : i32
      %mul3A_100 = arith.constant 16 : i32
      %mul3A_101 = arith.muli %add3A_99, %mul3A_100 : i32
      %add3A_102 = arith.addi %add3A_35, %mul3A_101 : i32
      %dma_wait3A_103 = arith.constant 0 : i32
      %dma_wait3A_104 = tpu.memref_slice %arg2[%add3A_102, %dma_wait3A_103] : memref<8192x512xf32, #tpu.memory_space<hbm>> -> memref<16x512xf32, #tpu.memory_space<hbm>>
      %dma_wait3A_105 = arith.constant 0 : i32
      %dma_wait3A_106 = tpu.memref_slice %arg2[%add3A_102, %dma_wait3A_105] : memref<8192x512xf32, #tpu.memory_space<hbm>> -> memref<16x512xf32, #tpu.memory_space<hbm>>
      tpu.wait_dma2 semaphore(%arg12 : memref<!tpu.dma_semaphore, #tpu.memory_space<semaphore_mem>>) src(%dma_wait3A_106 : memref<16x512xf32, #tpu.memory_space<hbm>>) dst(%arg7 : memref<16x512xf32, #tpu.memory_space<vmem>>)
      %dma_wait3A_107 = arith.constant 0 : i32
      %dma_wait3A_108 = tpu.memref_slice %arg3[%add3A_102, %dma_wait3A_107] : memref<8192x512xi32, #tpu.memory_space<hbm>> -> memref<16x512xi32, #tpu.memory_space<hbm>>
      %dma_wait3A_109 = arith.constant 0 : i32
      %dma_wait3A_110 = tpu.memref_slice %arg3[%add3A_102, %dma_wait3A_109] : memref<8192x512xi32, #tpu.memory_space<hbm>> -> memref<16x512xi32, #tpu.memory_space<hbm>>
      tpu.wait_dma2 semaphore(%arg13 : memref<!tpu.dma_semaphore, #tpu.memory_space<semaphore_mem>>) src(%dma_wait3A_110 : memref<16x512xi32, #tpu.memory_space<hbm>>) dst(%arg9 : memref<16x512xi32, #tpu.memory_space<vmem>>)
      %parallel_loop3A_111 = arith.constant 0 : i32
      %parallel_loop3A_112 = arith.constant 8192 : i32
      %parallel_loop3A_113 = arith.constant 16 : i32
      %parallel_loop3A_114 = scf.for %parallel_loop3A_115 = %parallel_loop3A_111 to %parallel_loop3A_112 step %parallel_loop3A_113 iter_args(%parallel_loop3A_116 = %parallel_loop3A_94) -> (vector<16xf32>)  : i32 {
        %parallel_loop3A_117 = arith.constant 9 : i32
        %parallel_loop3A_118 = arith.shrui %parallel_loop3A_115, %parallel_loop3A_117 : i32
        %parallel_loop3A_119 = arith.constant 511 : i32
        %parallel_loop3A_120 = arith.andi %parallel_loop3A_115, %parallel_loop3A_119 : i32
        %parallel_loop3A_121 = arith.index_cast %parallel_loop3A_118 : i32 to index
        %parallel_loop3A_122 = arith.index_cast %parallel_loop3A_120 : i32 to index
        %parallel_loop3A_123 = tpu.vector_load %arg7[%parallel_loop3A_121, %parallel_loop3A_122] {strides = array<i32>} : memref<16x512xf32, #tpu.memory_space<vmem>>, vector<16xf32>,
        %parallel_loop3A_124 = arith.index_cast %parallel_loop3A_118 : i32 to index
        %parallel_loop3A_125 = arith.index_cast %parallel_loop3A_120 : i32 to index
        %parallel_loop3A_126 = tpu.vector_load %arg9[%parallel_loop3A_124, %parallel_loop3A_125] {strides = array<i32>} : memref<16x512xi32, #tpu.memory_space<vmem>>, vector<16xi32>,
        %parallel_loop3A_127 = arith.sitofp %parallel_loop3A_126 : vector<16xi32> to vector<16xf32>
        %parallel_loop3A_128 = arith.constant 2.000000e+00 : f32
        %parallel_loop3A_129 = vector.broadcast %parallel_loop3A_128 : f32 to vector<16xf32>
        %parallel_loop3A_130 = arith.mulf %parallel_loop3A_129, %parallel_loop3A_127 : vector<16xf32>
        %parallel_loop3A_131 = arith.constant 1.000000e+00 : f32
        %parallel_loop3A_132 = vector.broadcast %parallel_loop3A_131 : f32 to vector<16xf32>
        %parallel_loop3A_133 = arith.subf %parallel_loop3A_130, %parallel_loop3A_132 : vector<16xf32>
        %parallel_loop3A_134 = arith.mulf %parallel_loop3A_123, %parallel_loop3A_133 : vector<16xf32>
        %parallel_loop3A_135 = arith.constant 1.000000e+00 : f32
        %parallel_loop3A_136 = vector.broadcast %parallel_loop3A_135 : f32 to vector<16xf32>
        %parallel_loop3A_137 = arith.subf %parallel_loop3A_136, %parallel_loop3A_134 : vector<16xf32>
        %parallel_loop3A_138 = arith.constant 0.000000e+00 : f32
        %parallel_loop3A_139 = vector.broadcast %parallel_loop3A_138 : f32 to vector<16xf32>
        %parallel_loop3A_140 = arith.cmpf ogt, %parallel_loop3A_137, %parallel_loop3A_139 : vector<16xf32>
        %parallel_loop3A_141 = arith.constant 1.024000e+03 : f32
        %parallel_loop3A_142 = vector.broadcast %parallel_loop3A_141 : f32 to vector<16xf32>
        %parallel_loop3A_143 = arith.mulf %parallel_loop3A_137, %parallel_loop3A_142 : vector<16xf32>
        %parallel_loop3A_144 = arith.fptosi %parallel_loop3A_143 : vector<16xf32> to vector<16xi32>
        %parallel_loop3A_145 = arith.constant 0 : i32
        %parallel_loop3A_146 = arith.constant 8191 : i32
        %parallel_loop3A_147 = vector.broadcast %parallel_loop3A_145 : i32 to vector<16xi32>
        %parallel_loop3A_148 = arith.maxsi %parallel_loop3A_147, %parallel_loop3A_144 : vector<16xi32>
        %parallel_loop3A_149 = vector.broadcast %parallel_loop3A_146 : i32 to vector<16xi32>
        %parallel_loop3A_150 = arith.minsi %parallel_loop3A_149, %parallel_loop3A_148 : vector<16xi32>
        %parallel_loop3A_151 = arith.constant 13 : i32
        %parallel_loop3A_152 = vector.broadcast %parallel_loop3A_151 : i32 to vector<16xi32>
        %parallel_loop3A_153 = arith.shli %parallel_loop3A_126, %parallel_loop3A_152 : vector<16xi32>
        %parallel_loop3A_154 = arith.addi %parallel_loop3A_153, %parallel_loop3A_150 : vector<16xi32>
        %parallel_loop3A_155 = arith.addi %parallel_loop3A_154, %shift_left3A_42 : vector<16xi32>
        %parallel_loop3A_156 = arith.constant 1.000000e+00 : f32
        %parallel_loop3A_157 = vector.broadcast %parallel_loop3A_156 : f32 to vector<16xf32>
        tpu.vector_store_idx %arg5[%parallel_loop3A_155], %parallel_loop3A_157 masked %parallel_loop3A_140 {add = true} : memref<65536xf32, #tpu.memory_space<vmem>>[vector<16xi32>], vector<16xf32>, vector<16xi1>
        %parallel_loop3A_158 = arith.constant 16384 : i32
        %parallel_loop3A_159 = vector.broadcast %parallel_loop3A_158 : i32 to vector<16xi32>
        %parallel_loop3A_160 = arith.addi %parallel_loop3A_155, %parallel_loop3A_159 : vector<16xi32>
        tpu.vector_store_idx %arg5[%parallel_loop3A_160], %parallel_loop3A_137 masked %parallel_loop3A_140 {add = true} : memref<65536xf32, #tpu.memory_space<vmem>>[vector<16xi32>], vector<16xf32>, vector<16xi1>
        %parallel_loop3A_161 = arith.addf %parallel_loop3A_116, %parallel_loop3A_127 : vector<16xf32>
        scf.yield %parallel_loop3A_161 : vector<16xf32>
      } {sc.loop_unroll_factor = 8 : i64, sc.parallel_access}
      scf.yield %parallel_loop3A_114 : vector<16xf32>
    }
    %scan3A_57 = arith.constant 8 : i32
    %parallel_loop3A_58 = arith.constant 0 : i32
    %parallel_loop3A_59 = arith.constant 32768 : i32
    %parallel_loop3A_60 = arith.constant 16 : i32
    scf.for %parallel_loop3A_64 = %parallel_loop3A_58 to %parallel_loop3A_59 step %parallel_loop3A_60  : i32 {
      %parallel_loop3A_65 = arith.index_cast %parallel_loop3A_64 : i32 to index
      %parallel_loop3A_66 = tpu.vector_load %arg5[%parallel_loop3A_65] {strides = array<i32>} : memref<65536xf32, #tpu.memory_space<vmem>>, vector<16xf32>,
      %parallel_loop3A_67 = arith.constant 32768 : i32
      %parallel_loop3A_68 = arith.addi %parallel_loop3A_67, %parallel_loop3A_64 : i32
      %parallel_loop3A_69 = arith.index_cast %parallel_loop3A_68 : i32 to index
      %parallel_loop3A_70 = tpu.vector_load %arg5[%parallel_loop3A_69] {strides = array<i32>} : memref<65536xf32, #tpu.memory_space<vmem>>, vector<16xf32>,
      %parallel_loop3A_71 = arith.addf %parallel_loop3A_66, %parallel_loop3A_70 : vector<16xf32>
      %parallel_loop3A_72 = arith.index_cast %parallel_loop3A_64 : i32 to index
      %parallel_loop3A_73 = tpu.vector_load %arg5[%parallel_loop3A_72] {strides = array<i32>} : memref<65536xf32, #tpu.memory_space<vmem>>, vector<16xf32>,
      tpu.vector_store %arg5[%parallel_loop3A_72], %parallel_loop3A_71 {strides = array<i32>} : memref<65536xf32, #tpu.memory_space<vmem>>, vector<16xf32>,
    } {sc.loop_unroll_factor = 8 : i64, sc.parallel_access}
    %swap3A = arith.constant 32768 : index
    %swap3A_61 = tpu.vector_load %arg5[%swap3A] {strides = array<i32>} : memref<65536xf32, #tpu.memory_space<vmem>>, vector<16xf32>,
    tpu.vector_store %arg5[%swap3A], %scan3A_56 {strides = array<i32>} : memref<65536xf32, #tpu.memory_space<vmem>>, vector<16xf32>,
    %mul3A_62 = arith.constant 32784 : i32
    %mul3A_63 = arith.muli %add3A, %mul3A_62 : i32
    "tpu.region"() ({
      %run_scoped3A = tpu.sem_alloc : memref<!tpu.dma_semaphore, #tpu.memory_space<semaphore_mem>>
      %dma_start3A_64 = arith.constant 0 : i32
      %dma_start3A_65 = tpu.memref_slice %arg5[%dma_start3A_64] : memref<65536xf32, #tpu.memory_space<vmem>> -> memref<32784xf32, #tpu.memory_space<vmem>>
      %dma_start3A_66 = tpu.memref_slice %arg4[%mul3A_63] : memref<1049088xf32, #tpu.memory_space<hbm>> -> memref<32784xf32, #tpu.memory_space<hbm>>
      %dma_start3A_67 = tpu.memref_slice %arg4[%mul3A_63] : memref<1049088xf32, #tpu.memory_space<hbm>> -> memref<32784xf32, #tpu.memory_space<hbm>>
      %dma_start3A_68 = arith.constant 0 : i32
      %dma_start3A_69 = tpu.memref_slice %arg5[%dma_start3A_68] : memref<65536xf32, #tpu.memory_space<vmem>> -> memref<32784xf32, #tpu.memory_space<vmem>>
      tpu.enqueue_dma source(%dma_start3A_69 : memref<32784xf32, #tpu.memory_space<vmem>>) target(%dma_start3A_67 : memref<32784xf32, #tpu.memory_space<hbm>>) target_semaphore(%run_scoped3A : memref<!tpu.dma_semaphore, #tpu.memory_space<semaphore_mem>>)
      %dma_wait3A = arith.constant 0 : i32
      %dma_wait3A_70 = tpu.memref_slice %arg5[%dma_wait3A] : memref<65536xf32, #tpu.memory_space<vmem>> -> memref<32784xf32, #tpu.memory_space<vmem>>
      %dma_wait3A_71 = tpu.memref_slice %arg4[%mul3A_63] : memref<1049088xf32, #tpu.memory_space<hbm>> -> memref<32784xf32, #tpu.memory_space<hbm>>
      %dma_wait3A_72 = tpu.memref_slice %arg4[%mul3A_63] : memref<1049088xf32, #tpu.memory_space<hbm>> -> memref<32784xf32, #tpu.memory_space<hbm>>
      %dma_wait3A_73 = arith.constant 0 : i32
      %dma_wait3A_74 = tpu.memref_slice %arg5[%dma_wait3A_73] : memref<65536xf32, #tpu.memory_space<vmem>> -> memref<32784xf32, #tpu.memory_space<vmem>>
      tpu.wait_dma2 semaphore(%run_scoped3A : memref<!tpu.dma_semaphore, #tpu.memory_space<semaphore_mem>>) src(%dma_wait3A_74 : memref<32784xf32, #tpu.memory_space<vmem>>) dst(%dma_wait3A_72 : memref<32784xf32, #tpu.memory_space<hbm>>)
      tpu.yield
    }) : () -> ()
    return
  }
}

module attributes {stable_mosaic.version = 14 : i64} {
  func.func @_tc_reduce_body(%arg0: memref<32x8192xf32, #tpu.memory_space<vmem>>, %arg1: memref<32x8192xf32, #tpu.memory_space<vmem>>, %arg2: memref<32x8192xf32, #tpu.memory_space<vmem>>, %arg3: memref<32x8192xf32, #tpu.memory_space<vmem>>, %arg4: memref<32x16xf32, #tpu.memory_space<vmem>>, %arg5: memref<1x1xf32, #tpu.memory_space<vmem>>) attributes {dimension_semantics = [], scalar_prefetch = 0 : i64, scratch_operands = 0 : i64, tpu.core_type = #tpu.core_type<tc>} {
    %get3A = arith.constant 0 : index
    %get3A_0 = arith.constant 0 : index
    %get3A_1 = vector.load %arg0[%get3A, %get3A_0] : memref<32x8192xf32, #tpu.memory_space<vmem>>, vector<16x8192xf32>
    %get3A_2 = arith.constant 16 : index
    %get3A_3 = arith.constant 0 : index
    %get3A_4 = vector.load %arg0[%get3A_2, %get3A_3] : memref<32x8192xf32, #tpu.memory_space<vmem>>, vector<16x8192xf32>
    %add3A = arith.addf %get3A_1, %get3A_4 : vector<16x8192xf32>
    %get3A_5 = arith.constant 0 : index
    %get3A_6 = arith.constant 0 : index
    %get3A_7 = vector.load %arg1[%get3A_5, %get3A_6] : memref<32x8192xf32, #tpu.memory_space<vmem>>, vector<16x8192xf32>
    %get3A_8 = arith.constant 16 : index
    %get3A_9 = arith.constant 0 : index
    %get3A_10 = vector.load %arg1[%get3A_8, %get3A_9] : memref<32x8192xf32, #tpu.memory_space<vmem>>, vector<16x8192xf32>
    %add3A_11 = arith.addf %get3A_7, %get3A_10 : vector<16x8192xf32>
    %get3A_12 = arith.constant 0 : index
    %get3A_13 = arith.constant 0 : index
    %get3A_14 = vector.load %arg2[%get3A_12, %get3A_13] : memref<32x8192xf32, #tpu.memory_space<vmem>>, vector<16x8192xf32>
    %get3A_15 = arith.constant 16 : index
    %get3A_16 = arith.constant 0 : index
    %get3A_17 = vector.load %arg2[%get3A_15, %get3A_16] : memref<32x8192xf32, #tpu.memory_space<vmem>>, vector<16x8192xf32>
    %add3A_18 = arith.addf %get3A_14, %get3A_17 : vector<16x8192xf32>
    %get3A_19 = arith.constant 0 : index
    %get3A_20 = arith.constant 0 : index
    %get3A_21 = vector.load %arg3[%get3A_19, %get3A_20] : memref<32x8192xf32, #tpu.memory_space<vmem>>, vector<16x8192xf32>
    %get3A_22 = arith.constant 16 : index
    %get3A_23 = arith.constant 0 : index
    %get3A_24 = vector.load %arg3[%get3A_22, %get3A_23] : memref<32x8192xf32, #tpu.memory_space<vmem>>, vector<16x8192xf32>
    %add3A_25 = arith.addf %get3A_21, %get3A_24 : vector<16x8192xf32>
    %get3A_26 = arith.constant 0 : index
    %get3A_27 = arith.constant 0 : index
    %get3A_28 = vector.load %arg4[%get3A_26, %get3A_27] : memref<32x16xf32, #tpu.memory_space<vmem>>, vector<16x16xf32>
    %get3A_29 = arith.constant 16 : index
    %get3A_30 = arith.constant 0 : index
    %get3A_31 = vector.load %arg4[%get3A_29, %get3A_30] : memref<32x16xf32, #tpu.memory_space<vmem>>, vector<16x16xf32>
    %add3A_32 = arith.addf %get3A_28, %get3A_31 : vector<16x16xf32>
    %reduce_sum3A = arith.constant dense<0.000000e+00> : vector<16xf32>
    %reduce_sum3A_33 = vector.multi_reduction <add>, %add3A_32, %reduce_sum3A [1] : vector<16x16xf32> to vector<16xf32>
    %broadcast_in_dim3A = vector.shape_cast %reduce_sum3A_33 : vector<16xf32> to vector<16x1xf32>
    %sub3A = arith.constant 2.621440e+05 : f32
    %sub3A_34 = vector.broadcast %sub3A : f32 to vector<16x1xf32>
    %sub3A_35 = arith.subf %sub3A_34, %broadcast_in_dim3A : vector<16x1xf32>
    %broadcast_in_dim3A_36 = arith.constant 0.000000e+00 : f32
    %broadcast_in_dim3A_37 = vector.broadcast %broadcast_in_dim3A_36 : f32 to vector<16x1xf32>
    %slice3A = vector.extract_strided_slice %add3A_11 {offsets = [0, 0], sizes = [16, 8191], strides = [1, 1]} : vector<16x8192xf32> to vector<16x8191xf32>
    %concatenate3A = tpu.concatenate %broadcast_in_dim3A_37, %slice3A in 1 : vector<16x1xf32>, vector<16x8191xf32> -> vector<16x8192xf32>
    %add3A_38 = arith.addf %add3A_11, %concatenate3A : vector<16x8192xf32>
    %broadcast_in_dim3A_39 = arith.constant 0.000000e+00 : f32
    %broadcast_in_dim3A_40 = vector.broadcast %broadcast_in_dim3A_39 : f32 to vector<16x2xf32>
    %slice3A_41 = vector.extract_strided_slice %add3A_38 {offsets = [0, 0], sizes = [16, 8190], strides = [1, 1]} : vector<16x8192xf32> to vector<16x8190xf32>
    %concatenate3A_42 = tpu.concatenate %broadcast_in_dim3A_40, %slice3A_41 in 1 : vector<16x2xf32>, vector<16x8190xf32> -> vector<16x8192xf32>
    %add3A_43 = arith.addf %add3A_38, %concatenate3A_42 : vector<16x8192xf32>
    %broadcast_in_dim3A_44 = arith.constant 0.000000e+00 : f32
    %broadcast_in_dim3A_45 = vector.broadcast %broadcast_in_dim3A_44 : f32 to vector<16x4xf32>
    %slice3A_46 = vector.extract_strided_slice %add3A_43 {offsets = [0, 0], sizes = [16, 8188], strides = [1, 1]} : vector<16x8192xf32> to vector<16x8188xf32>
    %concatenate3A_47 = tpu.concatenate %broadcast_in_dim3A_45, %slice3A_46 in 1 : vector<16x4xf32>, vector<16x8188xf32> -> vector<16x8192xf32>
    %add3A_48 = arith.addf %add3A_43, %concatenate3A_47 : vector<16x8192xf32>
    %broadcast_in_dim3A_49 = arith.constant 0.000000e+00 : f32
    %broadcast_in_dim3A_50 = vector.broadcast %broadcast_in_dim3A_49 : f32 to vector<16x8xf32>
    %slice3A_51 = vector.extract_strided_slice %add3A_48 {offsets = [0, 0], sizes = [16, 8184], strides = [1, 1]} : vector<16x8192xf32> to vector<16x8184xf32>
    %concatenate3A_52 = tpu.concatenate %broadcast_in_dim3A_50, %slice3A_51 in 1 : vector<16x8xf32>, vector<16x8184xf32> -> vector<16x8192xf32>
    %add3A_53 = arith.addf %add3A_48, %concatenate3A_52 : vector<16x8192xf32>
    %broadcast_in_dim3A_54 = arith.constant 0.000000e+00 : f32
    %broadcast_in_dim3A_55 = vector.broadcast %broadcast_in_dim3A_54 : f32 to vector<16x16xf32>
    %slice3A_56 = vector.extract_strided_slice %add3A_53 {offsets = [0, 0], sizes = [16, 8176], strides = [1, 1]} : vector<16x8192xf32> to vector<16x8176xf32>
    %concatenate3A_57 = tpu.concatenate %broadcast_in_dim3A_55, %slice3A_56 in 1 : vector<16x16xf32>, vector<16x8176xf32> -> vector<16x8192xf32>
    %add3A_58 = arith.addf %add3A_53, %concatenate3A_57 : vector<16x8192xf32>
    %broadcast_in_dim3A_59 = arith.constant 0.000000e+00 : f32
    %broadcast_in_dim3A_60 = vector.broadcast %broadcast_in_dim3A_59 : f32 to vector<16x32xf32>
    %slice3A_61 = vector.extract_strided_slice %add3A_58 {offsets = [0, 0], sizes = [16, 8160], strides = [1, 1]} : vector<16x8192xf32> to vector<16x8160xf32>
    %concatenate3A_62 = tpu.concatenate %broadcast_in_dim3A_60, %slice3A_61 in 1 : vector<16x32xf32>, vector<16x8160xf32> -> vector<16x8192xf32>
    %add3A_63 = arith.addf %add3A_58, %concatenate3A_62 : vector<16x8192xf32>
    %broadcast_in_dim3A_64 = arith.constant 0.000000e+00 : f32
    %broadcast_in_dim3A_65 = vector.broadcast %broadcast_in_dim3A_64 : f32 to vector<16x64xf32>
    %slice3A_66 = vector.extract_strided_slice %add3A_63 {offsets = [0, 0], sizes = [16, 8128], strides = [1, 1]} : vector<16x8192xf32> to vector<16x8128xf32>
    %concatenate3A_67 = tpu.concatenate %broadcast_in_dim3A_65, %slice3A_66 in 1 : vector<16x64xf32>, vector<16x8128xf32> -> vector<16x8192xf32>
    %add3A_68 = arith.addf %add3A_63, %concatenate3A_67 : vector<16x8192xf32>
    %broadcast_in_dim3A_69 = arith.constant 0.000000e+00 : f32
    %broadcast_in_dim3A_70 = vector.broadcast %broadcast_in_dim3A_69 : f32 to vector<16x128xf32>
    %slice3A_71 = vector.extract_strided_slice %add3A_68 {offsets = [0, 0], sizes = [16, 8064], strides = [1, 1]} : vector<16x8192xf32> to vector<16x8064xf32>
    %concatenate3A_72 = tpu.concatenate %broadcast_in_dim3A_70, %slice3A_71 in 1 : vector<16x128xf32>, vector<16x8064xf32> -> vector<16x8192xf32>
    %add3A_73 = arith.addf %add3A_68, %concatenate3A_72 : vector<16x8192xf32>
    %broadcast_in_dim3A_74 = arith.constant 0.000000e+00 : f32
    %broadcast_in_dim3A_75 = vector.broadcast %broadcast_in_dim3A_74 : f32 to vector<16x256xf32>
    %slice3A_76 = vector.extract_strided_slice %add3A_73 {offsets = [0, 0], sizes = [16, 7936], strides = [1, 1]} : vector<16x8192xf32> to vector<16x7936xf32>
    %concatenate3A_77 = tpu.concatenate %broadcast_in_dim3A_75, %slice3A_76 in 1 : vector<16x256xf32>, vector<16x7936xf32> -> vector<16x8192xf32>
    %add3A_78 = arith.addf %add3A_73, %concatenate3A_77 : vector<16x8192xf32>
    %broadcast_in_dim3A_79 = arith.constant 0.000000e+00 : f32
    %broadcast_in_dim3A_80 = vector.broadcast %broadcast_in_dim3A_79 : f32 to vector<16x512xf32>
    %slice3A_81 = vector.extract_strided_slice %add3A_78 {offsets = [0, 0], sizes = [16, 7680], strides = [1, 1]} : vector<16x8192xf32> to vector<16x7680xf32>
    %concatenate3A_82 = tpu.concatenate %broadcast_in_dim3A_80, %slice3A_81 in 1 : vector<16x512xf32>, vector<16x7680xf32> -> vector<16x8192xf32>
    %add3A_83 = arith.addf %add3A_78, %concatenate3A_82 : vector<16x8192xf32>
    %broadcast_in_dim3A_84 = arith.constant 0.000000e+00 : f32
    %broadcast_in_dim3A_85 = vector.broadcast %broadcast_in_dim3A_84 : f32 to vector<16x1024xf32>
    %slice3A_86 = vector.extract_strided_slice %add3A_83 {offsets = [0, 0], sizes = [16, 7168], strides = [1, 1]} : vector<16x8192xf32> to vector<16x7168xf32>
    %concatenate3A_87 = tpu.concatenate %broadcast_in_dim3A_85, %slice3A_86 in 1 : vector<16x1024xf32>, vector<16x7168xf32> -> vector<16x8192xf32>
    %add3A_88 = arith.addf %add3A_83, %concatenate3A_87 : vector<16x8192xf32>
    %broadcast_in_dim3A_89 = arith.constant 0.000000e+00 : f32
    %broadcast_in_dim3A_90 = vector.broadcast %broadcast_in_dim3A_89 : f32 to vector<16x2048xf32>
    %slice3A_91 = vector.extract_strided_slice %add3A_88 {offsets = [0, 0], sizes = [16, 6144], strides = [1, 1]} : vector<16x8192xf32> to vector<16x6144xf32>
    %concatenate3A_92 = tpu.concatenate %broadcast_in_dim3A_90, %slice3A_91 in 1 : vector<16x2048xf32>, vector<16x6144xf32> -> vector<16x8192xf32>
    %add3A_93 = arith.addf %add3A_88, %concatenate3A_92 : vector<16x8192xf32>
    %broadcast_in_dim3A_94 = arith.constant 0.000000e+00 : f32
    %broadcast_in_dim3A_95 = vector.broadcast %broadcast_in_dim3A_94 : f32 to vector<16x4096xf32>
    %slice3A_96 = vector.extract_strided_slice %add3A_93 {offsets = [0, 0], sizes = [16, 4096], strides = [1, 1]} : vector<16x8192xf32> to vector<16x4096xf32>
    %concatenate3A_97 = tpu.concatenate %broadcast_in_dim3A_95, %slice3A_96 in 1 : vector<16x4096xf32>, vector<16x4096xf32> -> vector<16x8192xf32>
    %add3A_98 = arith.addf %add3A_93, %concatenate3A_97 : vector<16x8192xf32>
    %broadcast_in_dim3A_99 = arith.constant 0.000000e+00 : f32
    %broadcast_in_dim3A_100 = vector.broadcast %broadcast_in_dim3A_99 : f32 to vector<16x1xf32>
    %slice3A_101 = vector.extract_strided_slice %add3A {offsets = [0, 0], sizes = [16, 8191], strides = [1, 1]} : vector<16x8192xf32> to vector<16x8191xf32>
    %concatenate3A_102 = tpu.concatenate %broadcast_in_dim3A_100, %slice3A_101 in 1 : vector<16x1xf32>, vector<16x8191xf32> -> vector<16x8192xf32>
    %add3A_103 = arith.addf %add3A, %concatenate3A_102 : vector<16x8192xf32>
    %broadcast_in_dim3A_104 = arith.constant 0.000000e+00 : f32
    %broadcast_in_dim3A_105 = vector.broadcast %broadcast_in_dim3A_104 : f32 to vector<16x2xf32>
    %slice3A_106 = vector.extract_strided_slice %add3A_103 {offsets = [0, 0], sizes = [16, 8190], strides = [1, 1]} : vector<16x8192xf32> to vector<16x8190xf32>
    %concatenate3A_107 = tpu.concatenate %broadcast_in_dim3A_105, %slice3A_106 in 1 : vector<16x2xf32>, vector<16x8190xf32> -> vector<16x8192xf32>
    %add3A_108 = arith.addf %add3A_103, %concatenate3A_107 : vector<16x8192xf32>
    %broadcast_in_dim3A_109 = arith.constant 0.000000e+00 : f32
    %broadcast_in_dim3A_110 = vector.broadcast %broadcast_in_dim3A_109 : f32 to vector<16x4xf32>
    %slice3A_111 = vector.extract_strided_slice %add3A_108 {offsets = [0, 0], sizes = [16, 8188], strides = [1, 1]} : vector<16x8192xf32> to vector<16x8188xf32>
    %concatenate3A_112 = tpu.concatenate %broadcast_in_dim3A_110, %slice3A_111 in 1 : vector<16x4xf32>, vector<16x8188xf32> -> vector<16x8192xf32>
    %add3A_113 = arith.addf %add3A_108, %concatenate3A_112 : vector<16x8192xf32>
    %broadcast_in_dim3A_114 = arith.constant 0.000000e+00 : f32
    %broadcast_in_dim3A_115 = vector.broadcast %broadcast_in_dim3A_114 : f32 to vector<16x8xf32>
    %slice3A_116 = vector.extract_strided_slice %add3A_113 {offsets = [0, 0], sizes = [16, 8184], strides = [1, 1]} : vector<16x8192xf32> to vector<16x8184xf32>
    %concatenate3A_117 = tpu.concatenate %broadcast_in_dim3A_115, %slice3A_116 in 1 : vector<16x8xf32>, vector<16x8184xf32> -> vector<16x8192xf32>
    %add3A_118 = arith.addf %add3A_113, %concatenate3A_117 : vector<16x8192xf32>
    %broadcast_in_dim3A_119 = arith.constant 0.000000e+00 : f32
    %broadcast_in_dim3A_120 = vector.broadcast %broadcast_in_dim3A_119 : f32 to vector<16x16xf32>
    %slice3A_121 = vector.extract_strided_slice %add3A_118 {offsets = [0, 0], sizes = [16, 8176], strides = [1, 1]} : vector<16x8192xf32> to vector<16x8176xf32>
    %concatenate3A_122 = tpu.concatenate %broadcast_in_dim3A_120, %slice3A_121 in 1 : vector<16x16xf32>, vector<16x8176xf32> -> vector<16x8192xf32>
    %add3A_123 = arith.addf %add3A_118, %concatenate3A_122 : vector<16x8192xf32>
    %broadcast_in_dim3A_124 = arith.constant 0.000000e+00 : f32
    %broadcast_in_dim3A_125 = vector.broadcast %broadcast_in_dim3A_124 : f32 to vector<16x32xf32>
    %slice3A_126 = vector.extract_strided_slice %add3A_123 {offsets = [0, 0], sizes = [16, 8160], strides = [1, 1]} : vector<16x8192xf32> to vector<16x8160xf32>
    %concatenate3A_127 = tpu.concatenate %broadcast_in_dim3A_125, %slice3A_126 in 1 : vector<16x32xf32>, vector<16x8160xf32> -> vector<16x8192xf32>
    %add3A_128 = arith.addf %add3A_123, %concatenate3A_127 : vector<16x8192xf32>
    %broadcast_in_dim3A_129 = arith.constant 0.000000e+00 : f32
    %broadcast_in_dim3A_130 = vector.broadcast %broadcast_in_dim3A_129 : f32 to vector<16x64xf32>
    %slice3A_131 = vector.extract_strided_slice %add3A_128 {offsets = [0, 0], sizes = [16, 8128], strides = [1, 1]} : vector<16x8192xf32> to vector<16x8128xf32>
    %concatenate3A_132 = tpu.concatenate %broadcast_in_dim3A_130, %slice3A_131 in 1 : vector<16x64xf32>, vector<16x8128xf32> -> vector<16x8192xf32>
    %add3A_133 = arith.addf %add3A_128, %concatenate3A_132 : vector<16x8192xf32>
    %broadcast_in_dim3A_134 = arith.constant 0.000000e+00 : f32
    %broadcast_in_dim3A_135 = vector.broadcast %broadcast_in_dim3A_134 : f32 to vector<16x128xf32>
    %slice3A_136 = vector.extract_strided_slice %add3A_133 {offsets = [0, 0], sizes = [16, 8064], strides = [1, 1]} : vector<16x8192xf32> to vector<16x8064xf32>
    %concatenate3A_137 = tpu.concatenate %broadcast_in_dim3A_135, %slice3A_136 in 1 : vector<16x128xf32>, vector<16x8064xf32> -> vector<16x8192xf32>
    %add3A_138 = arith.addf %add3A_133, %concatenate3A_137 : vector<16x8192xf32>
    %broadcast_in_dim3A_139 = arith.constant 0.000000e+00 : f32
    %broadcast_in_dim3A_140 = vector.broadcast %broadcast_in_dim3A_139 : f32 to vector<16x256xf32>
    %slice3A_141 = vector.extract_strided_slice %add3A_138 {offsets = [0, 0], sizes = [16, 7936], strides = [1, 1]} : vector<16x8192xf32> to vector<16x7936xf32>
    %concatenate3A_142 = tpu.concatenate %broadcast_in_dim3A_140, %slice3A_141 in 1 : vector<16x256xf32>, vector<16x7936xf32> -> vector<16x8192xf32>
    %add3A_143 = arith.addf %add3A_138, %concatenate3A_142 : vector<16x8192xf32>
    %broadcast_in_dim3A_144 = arith.constant 0.000000e+00 : f32
    %broadcast_in_dim3A_145 = vector.broadcast %broadcast_in_dim3A_144 : f32 to vector<16x512xf32>
    %slice3A_146 = vector.extract_strided_slice %add3A_143 {offsets = [0, 0], sizes = [16, 7680], strides = [1, 1]} : vector<16x8192xf32> to vector<16x7680xf32>
    %concatenate3A_147 = tpu.concatenate %broadcast_in_dim3A_145, %slice3A_146 in 1 : vector<16x512xf32>, vector<16x7680xf32> -> vector<16x8192xf32>
    %add3A_148 = arith.addf %add3A_143, %concatenate3A_147 : vector<16x8192xf32>
    %broadcast_in_dim3A_149 = arith.constant 0.000000e+00 : f32
    %broadcast_in_dim3A_150 = vector.broadcast %broadcast_in_dim3A_149 : f32 to vector<16x1024xf32>
    %slice3A_151 = vector.extract_strided_slice %add3A_148 {offsets = [0, 0], sizes = [16, 7168], strides = [1, 1]} : vector<16x8192xf32> to vector<16x7168xf32>
    %concatenate3A_152 = tpu.concatenate %broadcast_in_dim3A_150, %slice3A_151 in 1 : vector<16x1024xf32>, vector<16x7168xf32> -> vector<16x8192xf32>
    %add3A_153 = arith.addf %add3A_148, %concatenate3A_152 : vector<16x8192xf32>
    %broadcast_in_dim3A_154 = arith.constant 0.000000e+00 : f32
    %broadcast_in_dim3A_155 = vector.broadcast %broadcast_in_dim3A_154 : f32 to vector<16x2048xf32>
    %slice3A_156 = vector.extract_strided_slice %add3A_153 {offsets = [0, 0], sizes = [16, 6144], strides = [1, 1]} : vector<16x8192xf32> to vector<16x6144xf32>
    %concatenate3A_157 = tpu.concatenate %broadcast_in_dim3A_155, %slice3A_156 in 1 : vector<16x2048xf32>, vector<16x6144xf32> -> vector<16x8192xf32>
    %add3A_158 = arith.addf %add3A_153, %concatenate3A_157 : vector<16x8192xf32>
    %broadcast_in_dim3A_159 = arith.constant 0.000000e+00 : f32
    %broadcast_in_dim3A_160 = vector.broadcast %broadcast_in_dim3A_159 : f32 to vector<16x4096xf32>
    %slice3A_161 = vector.extract_strided_slice %add3A_158 {offsets = [0, 0], sizes = [16, 4096], strides = [1, 1]} : vector<16x8192xf32> to vector<16x4096xf32>
    %concatenate3A_162 = tpu.concatenate %broadcast_in_dim3A_160, %slice3A_161 in 1 : vector<16x4096xf32>, vector<16x4096xf32> -> vector<16x8192xf32>
    %add3A_163 = arith.addf %add3A_158, %concatenate3A_162 : vector<16x8192xf32>
    %slice3A_164 = vector.extract_strided_slice %add3A_98 {offsets = [0, 8191], sizes = [16, 1], strides = [1, 1]} : vector<16x8192xf32> to vector<16x1xf32>
    %sub3A_165 = vector.broadcast %slice3A_164 : vector<16x1xf32> to vector<16x8192xf32>
    %sub3A_166 = arith.subf %sub3A_165, %add3A_98 : vector<16x8192xf32>
    %slice3A_167 = vector.extract_strided_slice %add3A_163 {offsets = [0, 8191], sizes = [16, 1], strides = [1, 1]} : vector<16x8192xf32> to vector<16x1xf32>
    %sub3A_168 = vector.broadcast %slice3A_167 : vector<16x1xf32> to vector<16x8192xf32>
    %sub3A_169 = arith.subf %sub3A_168, %add3A_163 : vector<16x8192xf32>
    %gt3A = arith.constant 0.000000e+00 : f32
    %gt3A_170 = vector.broadcast %gt3A : f32 to vector<16x8192xf32>
    %gt3A_171 = arith.cmpf ogt, %add3A, %gt3A_170 : vector<16x8192xf32>
    %max3A = arith.constant 1.000000e+00 : f32
    %max3A_172 = vector.broadcast %max3A : f32 to vector<16x8192xf32>
    %max3A_173 = arith.maximumf %add3A, %max3A_172 : vector<16x8192xf32>
    %div3A = arith.divf %add3A_18, %max3A_173 : vector<16x8192xf32>
    %jit3A = arith.constant 0.000000e+00 : f32
    %broadcast_in_dim3A_174 = vector.broadcast %jit3A : f32 to vector<16x8192xf32>
    %select_n3A = arith.select %gt3A_171, %div3A, %broadcast_in_dim3A_174 : vector<16x8192xi1>, vector<16x8192xf32>
    %gt3A_175 = arith.constant 0.000000e+00 : f32
    %gt3A_176 = vector.broadcast %gt3A_175 : f32 to vector<16x8192xf32>
    %gt3A_177 = arith.cmpf ogt, %add3A_11, %gt3A_176 : vector<16x8192xf32>
    %max3A_178 = arith.constant 1.000000e+00 : f32
    %max3A_179 = vector.broadcast %max3A_178 : f32 to vector<16x8192xf32>
    %max3A_180 = arith.maximumf %add3A_11, %max3A_179 : vector<16x8192xf32>
    %div3A_181 = arith.divf %add3A_25, %max3A_180 : vector<16x8192xf32>
    %jit3A_182 = arith.constant 0.000000e+00 : f32
    %broadcast_in_dim3A_183 = vector.broadcast %jit3A_182 : f32 to vector<16x8192xf32>
    %select_n3A_184 = arith.select %gt3A_177, %div3A_181, %broadcast_in_dim3A_183 : vector<16x8192xi1>, vector<16x8192xf32>
    %add3A_185 = vector.broadcast %broadcast_in_dim3A : vector<16x1xf32> to vector<16x8192xf32>
    %add3A_186 = arith.addf %add3A_185, %sub3A_169 : vector<16x8192xf32>
    %add3A_187 = arith.addf %add3A_186, %add3A : vector<16x8192xf32>
    %gt3A_188 = arith.constant 0.000000e+00 : f32
    %gt3A_189 = vector.broadcast %gt3A_188 : f32 to vector<16x8192xf32>
    %gt3A_190 = arith.cmpf ogt, %add3A_186, %gt3A_189 : vector<16x8192xf32>
    %max3A_191 = arith.constant 1.000000e+00 : f32
    %max3A_192 = vector.broadcast %max3A_191 : f32 to vector<16x8192xf32>
    %max3A_193 = arith.maximumf %add3A_186, %max3A_192 : vector<16x8192xf32>
    %div3A_194 = arith.constant 1.000000e+00 : f32
    %div3A_195 = vector.broadcast %div3A_194 : f32 to vector<16x8192xf32>
    %div3A_196 = arith.divf %div3A_195, %max3A_193 : vector<16x8192xf32>
    %jit3A_197 = arith.constant 0.000000e+00 : f32
    %broadcast_in_dim3A_198 = vector.broadcast %jit3A_197 : f32 to vector<16x8192xf32>
    %select_n3A_199 = arith.select %gt3A_190, %div3A_196, %broadcast_in_dim3A_198 : vector<16x8192xi1>, vector<16x8192xf32>
    %gt3A_200 = arith.constant 0.000000e+00 : f32
    %gt3A_201 = vector.broadcast %gt3A_200 : f32 to vector<16x8192xf32>
    %gt3A_202 = arith.cmpf ogt, %add3A_187, %gt3A_201 : vector<16x8192xf32>
    %max3A_203 = arith.constant 1.000000e+00 : f32
    %max3A_204 = vector.broadcast %max3A_203 : f32 to vector<16x8192xf32>
    %max3A_205 = arith.maximumf %add3A_187, %max3A_204 : vector<16x8192xf32>
    %div3A_206 = arith.constant 1.000000e+00 : f32
    %div3A_207 = vector.broadcast %div3A_206 : f32 to vector<16x8192xf32>
    %div3A_208 = arith.divf %div3A_207, %max3A_205 : vector<16x8192xf32>
    %jit3A_209 = arith.constant 0.000000e+00 : f32
    %broadcast_in_dim3A_210 = vector.broadcast %jit3A_209 : f32 to vector<16x8192xf32>
    %select_n3A_211 = arith.select %gt3A_202, %div3A_208, %broadcast_in_dim3A_210 : vector<16x8192xi1>, vector<16x8192xf32>
    %mul3A = arith.mulf %add3A_25, %select_n3A_199 : vector<16x8192xf32>
    %sub3A_212 = vector.broadcast %broadcast_in_dim3A : vector<16x1xf32> to vector<16x8192xf32>
    %sub3A_213 = arith.subf %sub3A_212, %sub3A_166 : vector<16x8192xf32>
    %sub3A_214 = arith.subf %sub3A_213, %add3A_11 : vector<16x8192xf32>
    %mul3A_215 = arith.mulf %select_n3A, %sub3A_214 : vector<16x8192xf32>
    %sub3A_216 = arith.subf %select_n3A_199, %select_n3A_211 : vector<16x8192xf32>
    %mul3A_217 = arith.mulf %mul3A_215, %sub3A_216 : vector<16x8192xf32>
    %add3A_218 = arith.addf %mul3A, %mul3A_217 : vector<16x8192xf32>
    %reduce_sum3A_219 = arith.constant dense<0.000000e+00> : vector<16xf32>
    %reduce_sum3A_220 = vector.multi_reduction <add>, %add3A_218, %reduce_sum3A_219 [1] : vector<16x8192xf32> to vector<16xf32>
    %broadcast_in_dim3A_221 = vector.shape_cast %reduce_sum3A_220 : vector<16xf32> to vector<16x1xf32>
    %add3A_222 = vector.broadcast %sub3A_35 : vector<16x1xf32> to vector<16x8192xf32>
    %add3A_223 = arith.addf %add3A_222, %sub3A_166 : vector<16x8192xf32>
    %add3A_224 = arith.addf %add3A_223, %add3A_11 : vector<16x8192xf32>
    %gt3A_225 = arith.constant 0.000000e+00 : f32
    %gt3A_226 = vector.broadcast %gt3A_225 : f32 to vector<16x8192xf32>
    %gt3A_227 = arith.cmpf ogt, %add3A_223, %gt3A_226 : vector<16x8192xf32>
    %max3A_228 = arith.constant 1.000000e+00 : f32
    %max3A_229 = vector.broadcast %max3A_228 : f32 to vector<16x8192xf32>
    %max3A_230 = arith.maximumf %add3A_223, %max3A_229 : vector<16x8192xf32>
    %div3A_231 = arith.constant 1.000000e+00 : f32
    %div3A_232 = vector.broadcast %div3A_231 : f32 to vector<16x8192xf32>
    %div3A_233 = arith.divf %div3A_232, %max3A_230 : vector<16x8192xf32>
    %jit3A_234 = arith.constant 0.000000e+00 : f32
    %broadcast_in_dim3A_235 = vector.broadcast %jit3A_234 : f32 to vector<16x8192xf32>
    %select_n3A_236 = arith.select %gt3A_227, %div3A_233, %broadcast_in_dim3A_235 : vector<16x8192xi1>, vector<16x8192xf32>
    %gt3A_237 = arith.constant 0.000000e+00 : f32
    %gt3A_238 = vector.broadcast %gt3A_237 : f32 to vector<16x8192xf32>
    %gt3A_239 = arith.cmpf ogt, %add3A_224, %gt3A_238 : vector<16x8192xf32>
    %max3A_240 = arith.constant 1.000000e+00 : f32
    %max3A_241 = vector.broadcast %max3A_240 : f32 to vector<16x8192xf32>
    %max3A_242 = arith.maximumf %add3A_224, %max3A_241 : vector<16x8192xf32>
    %div3A_243 = arith.constant 1.000000e+00 : f32
    %div3A_244 = vector.broadcast %div3A_243 : f32 to vector<16x8192xf32>
    %div3A_245 = arith.divf %div3A_244, %max3A_242 : vector<16x8192xf32>
    %jit3A_246 = arith.constant 0.000000e+00 : f32
    %broadcast_in_dim3A_247 = vector.broadcast %jit3A_246 : f32 to vector<16x8192xf32>
    %select_n3A_248 = arith.select %gt3A_239, %div3A_245, %broadcast_in_dim3A_247 : vector<16x8192xi1>, vector<16x8192xf32>
    %mul3A_249 = arith.mulf %add3A_18, %select_n3A_236 : vector<16x8192xf32>
    %sub3A_250 = vector.broadcast %sub3A_35 : vector<16x1xf32> to vector<16x8192xf32>
    %sub3A_251 = arith.subf %sub3A_250, %sub3A_169 : vector<16x8192xf32>
    %sub3A_252 = arith.subf %sub3A_251, %add3A : vector<16x8192xf32>
    %mul3A_253 = arith.mulf %select_n3A_184, %sub3A_252 : vector<16x8192xf32>
    %sub3A_254 = arith.subf %select_n3A_236, %select_n3A_248 : vector<16x8192xf32>
    %mul3A_255 = arith.mulf %mul3A_253, %sub3A_254 : vector<16x8192xf32>
    %add3A_256 = arith.addf %mul3A_249, %mul3A_255 : vector<16x8192xf32>
    %reduce_sum3A_257 = arith.constant dense<0.000000e+00> : vector<16xf32>
    %reduce_sum3A_258 = vector.multi_reduction <add>, %add3A_256, %reduce_sum3A_257 [1] : vector<16x8192xf32> to vector<16xf32>
    %broadcast_in_dim3A_259 = vector.shape_cast %reduce_sum3A_258 : vector<16xf32> to vector<16x1xf32>
    %iota3A = tpu.iota {dimensions = array<i32: 1>} : vector<16x8192xi32>
    %convert_element_type3A = arith.sitofp %iota3A : vector<16x8192xi32> to vector<16x8192xf32>
    %add3A_260 = arith.addf %add3A, %add3A_11 : vector<16x8192xf32>
    %gt3A_261 = arith.constant 0.000000e+00 : f32
    %gt3A_262 = vector.broadcast %gt3A_261 : f32 to vector<16x8192xf32>
    %gt3A_263 = arith.cmpf ogt, %add3A_260, %gt3A_262 : vector<16x8192xf32>
    %add3A_264 = arith.constant 1.000000e+00 : f32
    %add3A_265 = vector.broadcast %add3A_264 : f32 to vector<16x8192xf32>
    %add3A_266 = arith.addf %convert_element_type3A, %add3A_265 : vector<16x8192xf32>
    %mul3A_267 = arith.constant 9.765625E-4 : f32
    %mul3A_268 = vector.broadcast %mul3A_267 : f32 to vector<16x8192xf32>
    %mul3A_269 = arith.mulf %add3A_266, %mul3A_268 : vector<16x8192xf32>
    %jit3A_270 = arith.constant 0.000000e+00 : f32
    %broadcast_in_dim3A_271 = vector.broadcast %jit3A_270 : f32 to vector<16x8192xf32>
    %select_n3A_272 = arith.select %gt3A_263, %mul3A_269, %broadcast_in_dim3A_271 : vector<16x8192xi1>, vector<16x8192xf32>
    %reduce_max3A = arith.constant dense<0xFF800000> : vector<16xf32>
    %reduce_max3A_273 = vector.multi_reduction <maximumf>, %select_n3A_272, %reduce_max3A [1] : vector<16x8192xf32> to vector<16xf32>
    %broadcast_in_dim3A_274 = vector.shape_cast %reduce_max3A_273 : vector<16xf32> to vector<16x1xf32>
    %gt3A_275 = arith.constant 0.000000e+00 : f32
    %gt3A_276 = vector.broadcast %gt3A_275 : f32 to vector<16x1xf32>
    %gt3A_277 = arith.cmpf ogt, %broadcast_in_dim3A, %gt3A_276 : vector<16x1xf32>
    %select_n3A_278 = arith.select %gt3A_277, %broadcast_in_dim3A_221, %broadcast_in_dim3A_274 : vector<16x1xi1>, vector<16x1xf32>
    %gt3A_279 = arith.constant 0.000000e+00 : f32
    %gt3A_280 = vector.broadcast %gt3A_279 : f32 to vector<16x1xf32>
    %gt3A_281 = arith.cmpf ogt, %sub3A_35, %gt3A_280 : vector<16x1xf32>
    %select_n3A_282 = arith.select %gt3A_281, %broadcast_in_dim3A_259, %broadcast_in_dim3A_274 : vector<16x1xi1>, vector<16x1xf32>
    %add3A_283 = arith.addf %select_n3A_278, %select_n3A_282 : vector<16x1xf32>
    %mul3A_284 = arith.constant 5.000000e-01 : f32
    %mul3A_285 = vector.broadcast %mul3A_284 : f32 to vector<16x1xf32>
    %mul3A_286 = arith.mulf %add3A_283, %mul3A_285 : vector<16x1xf32>
    %reduce_sum3A_287 = arith.constant dense<0.000000e+00> : vector<1xf32>
    %reduce_sum3A_288 = vector.multi_reduction <add>, %mul3A_286, %reduce_sum3A_287 [0] : vector<16x1xf32> to vector<1xf32>
    %broadcast_in_dim3A_289 = vector.shape_cast %reduce_sum3A_288 : vector<1xf32> to vector<1x1xf32>
    %div3A_290 = arith.constant 1.600000e+01 : f32
    %div3A_291 = vector.broadcast %div3A_290 : f32 to vector<1x1xf32>
    %div3A_292 = arith.divf %broadcast_in_dim3A_289, %div3A_291 : vector<1x1xf32>
    %swap3A = arith.constant 0 : index
    %swap3A_293 = arith.constant 0 : index
    %swap3A_294 = vector.load %arg5[%swap3A, %swap3A_293] : memref<1x1xf32, #tpu.memory_space<vmem>>, vector<1x1xf32>
    tpu.vector_store %arg5[%swap3A, %swap3A_293], %div3A_292 {strides = array<i32>} : memref<1x1xf32, #tpu.memory_space<vmem>>, vector<1x1xf32>,
    return
  }
}

</mosaic_0001>

<sc_bundles>
// kernel: kernel.4.cloned.1.call-start
scs
__scs_entry_jumppad:
0x0: {  	(pc) =	sbr.rel $0x88, $3  }
0x1: {  	(tag) =	ssettag $0x0;
	lr =	simm.s32 $0x1  }
0x2: {  	[smem:$0x3F9F] =	sst lr;
	_ =	strace $0xD0000000  }
0x3: {  	_ = 	snop  }
0x4: {  	_ = 	snop  }
0x5: {  	_ = 	snop  }
0x6: {  	_ = 	snop  }
0x7: {  	_ = 	snop  }
__scs_overlays_trampoline_lowered:
0x8: {  	[smem:$0x3FAE] =	sst s0  }
0x9: {  	[smem:$0x3FAF] =	sst s1  }
0xa: {  	[smem:$0x3FB0] =	sst s2  }
0xb: {  	[smem:$0x3FB1] =	sst s3  }
0xc: {  	[smem:$0x3FB2] =	sst s4  }
0xd: {  	[smem:$0x3FB3] =	sst s5  }
0xe: {  	[smem:$0x3FB4] =	sst s6  }
0xf: {  	[smem:$0x3FB5] =	sst s7  }
0x10: {  	[smem:$0x3FB6] =	sst s8  }
0x11: {  	[smem:$0x3FB7] =	sst s9;
	s0 =	simm.s32 @!p0 $0x0  }
0x12: {  	s1 =	sld [smem:$0x3F9D];
	s0 =	simm.s32 @p0 $0x1  }
0x13: {  	[smem:$0x3FB8] =	sst s0;
	s0 =	simm.s32 @!p1 $0x0  }
0x14: {  	s2 =	sld [smem:$0x3F9C];
	s0 =	simm.s32 @p1 $0x1  }
0x15: {  	[smem:$0x3FB9] =	sst s0;
	s0 =	simm.s32 @!p2 $0x0  }
0x16: {  	s3 =	sld [smem:$0x3FDB];
	s0 =	simm.s32 @p2 $0x1  }
0x17: {  	s4 =	simm.s32 $0x1BF5;
	[smem:$0x3FBB] =	sst s0  }
0x18: {  	s0 =	sld [smem:$0x3F9E];
	_ =	swait.ge [sflag:s4], $0x0  }
0x19: {  	s7 =	sld [smem:$0x3F9F]  }
0x1a: {  	s8 =	sadd.s32 $0xFFFFE003, lr  }
0x1b: {  	s9 =	sadd.s32 $0xFFFFFEF7, lr;
	s5 =	simm.s32 $0xFFFFFFFF;
	p2 =	slt.u32 s8, $0xFFFFF086  }
0x1c: {  	p1 =	slt.u32 s9, $0xF7A;
	s5 =	simm.s32 @!p2 $0x0  }
0x1d: {  	s5 =	simm.s32 @p1 $0x1;
	p0 =	seq.s32 s7, s2  }
0x1e: {  	s7 =	smul.u32 @!p0 $0xF7A, s2;
	p2 =	seq.s32 @!p0 s5, $0x0  }
0x1f: {  	s9 =	smul.u32 $0xF7A, s1;
	s8 =	simm.s32 @!p0 $0x1BF5;
	p2 =	por !p2, p0  }
0x20: {  	[sflag:s8] =	ssyncset.s32 @!p0 $0xFFFFF086;
	s6 =	sadd.s32 @!p0 s3, s7;
	s7 =	simm.s32 @!p0 $0x108  }
0x21: {  	s3 =	sadd.s32 s3, s9;
	s6 =	sadd.s32 @!p0 $0x88, s6;
	s7 =	simm.s32 @p2 $0x1082  }
0x22: {  	[simem:s7], [sflag:s8] =	dma.local @!p0 [hbm:s6], $0xF7A  }
0x23: {  	s9 =	sor.u32 $0xD0000000, s2;
	s6 =	simm.s32 $0x108;
	_ =	swait.ge @!p0 [sflag:s8], $0x0  }
0x24: {  	s3 =	sadd.s32 $0x88, s3;
	s6 =	simm.s32 @!p1 $0x1082;
	[sflag:s4] =	ssyncset.s32 $0xFFFFF086  }
0x25: {  	[simem:s6], [sflag:s4] =	dma.local [hbm:s3], $0xF7A  }
0x26: {  	[smem:$0x3F9F] =	sst s1;
	(tag) =	ssettag s2;
	_ =	strace s9  }
0x27: {  	s1 =	sld [smem:$0x3FAF]  }
0x28: {  	s2 =	sld [smem:$0x3FB0]  }
0x29: {  	s4 =	sld [smem:$0x3FB2]  }
0x2a: {  	p0 =	seq.s32 s5, $0x0;
	s5 =	sld [smem:$0x3FB3]  }
0x2b: {  	s6 =	sld [smem:$0x3FB4]  }
0x2c: {  	s7 =	sld [smem:$0x3FB5]  }
0x2d: {  	s3 =	simm.s32 $0x108;
	s8 =	sld [smem:$0x3FB6]  }
0x2e: {  	s3 =	simm.s32 @!p0 $0x1082;
	s9 =	sld [smem:$0x3FB7]  }
0x2f: {  	lr =	sadd.s32 s0, s3;
	s0 =	sld [smem:$0x3FAE]  }
0x30: {  	s3 =	sld [smem:$0x3FB1]  }
0x31: {  	[smem:$0x3FBA] =	sst s10  }
0x32: {  	s10 =	sld [smem:$0x3FB8];
	_ =	sdelay $0x3  }
0x33: {  	p0 =	seq.s32 s10, $0x1;
	s10 =	sld [smem:$0x3FBA];
	_ =	sdelay $0x3  }
0x34: {  	[smem:$0x3FBA] =	sst s10  }
0x35: {  	s10 =	sld [smem:$0x3FB9];
	_ =	sdelay $0x3  }
0x36: {  	p1 =	seq.s32 s10, $0x1;
	s10 =	sld [smem:$0x3FBA];
	_ =	sdelay $0x3  }
0x37: {  	[smem:$0x3FBA] =	sst s10  }
0x38: {  	s10 =	sld [smem:$0x3FBB]  }
0x39: {  	_ = 	snop;
	(pc) =	sbr.ind lr, $3  }
0x3a: {  	_ = 	snop  }
0x3b: {  	_ = 	snop  }
0x3c: {  	p2 =	seq.s32 s10, $0x1;
	s10 =	sld [smem:$0x3FBA]  }
0x3d: {  	_ =	shalt  }
0x3e: {  	_ =	shalt  }
0x3f: {  	_ =	shalt  }
0x40: {  	_ =	shalt  }
0x41: {  	_ =	shalt  }
0x42: {  	_ =	shalt  }
0x43: {  	_ =	shalt  }
0x44: {  	_ =	shalt  }
0x45: {  	_ =	shalt  }
0x46: {  	_ =	shalt  }
0x47: {  	_ =	shalt  }
0x48: {  	_ =	shalt  }
0x49: {  	_ =	shalt  }
0x4a: {  	_ =	shalt  }
0x4b: {  	_ =	shalt  }
0x4c: {  	_ =	shalt  }
0x4d: {  	_ =	shalt  }
0x4e: {  	_ =	shalt  }
0x4f: {  	_ =	shalt  }
0x50: {  	_ =	shalt  }
0x51: {  	_ =	shalt  }
0x52: {  	_ =	shalt  }
0x53: {  	_ =	shalt  }
0x54: {  	_ =	shalt  }
0x55: {  	_ =	shalt  }
0x56: {  	_ =	shalt  }
0x57: {  	_ =	shalt  }
0x58: {  	_ =	shalt  }
0x59: {  	_ =	shalt  }
0x5a: {  	_ =	shalt  }
0x5b: {  	_ =	shalt  }
0x5c: {  	_ =	shalt  }
0x5d: {  	_ =	shalt  }
0x5e: {  	_ =	shalt  }
0x5f: {  	_ =	shalt  }
0x60: {  	_ =	shalt  }
0x61: {  	_ =	shalt  }
0x62: {  	_ =	shalt  }
0x63: {  	_ =	shalt  }
0x64: {  	_ =	shalt  }
0x65: {  	_ =	shalt  }
0x66: {  	_ =	shalt  }
0x67: {  	_ =	shalt  }
0x68: {  	_ =	shalt  }
0x69: {  	_ =	shalt  }
0x6a: {  	_ =	shalt  }
0x6b: {  	_ =	shalt  }
0x6c: {  	_ =	shalt  }
0x6d: {  	_ =	shalt  }
0x6e: {  	_ =	shalt  }
0x6f: {  	_ =	shalt  }
0x70: {  	_ =	shalt  }
0x71: {  	_ =	shalt  }
0x72: {  	_ =	shalt  }
0x73: {  	_ =	shalt  }
0x74: {  	_ =	shalt  }
0x75: {  	_ =	shalt  }
0x76: {  	_ =	shalt  }
0x77: {  	_ =	shalt  }
0x78: {  	_ =	shalt  }
0x79: {  	_ =	shalt  }
0x7a: {  	_ =	shalt  }
0x7b: {  	_ =	shalt  }
0x7c: {  	_ =	shalt  }
0x7d: {  	_ =	shalt  }
0x7e: {  	_ =	shalt  }
0x7f: {  	_ =	shalt  }
0x80: {  	_ =	shalt  }
0x81: {  	_ =	shalt  }
0x82: {  	_ =	shalt  }
0x83: {  	_ =	shalt  }
0x84: {  	_ =	shalt  }
0x85: {  	_ =	shalt  }
0x86: {  	_ =	shalt  }
0x87: {  	_ =	shalt  }
.Lfunc_end0:
.L_simem_size_0:
called_computation_lowered:
.L_overlay_start_0:
0x88: {  	s2 =	sld [smem:$0x3FD9]  }
0x89: {  	s3 =	sld [smem:$0x3FFE];
	_ =	sdelay $0x1  }
0x8a: {  	s1 =	srdreg.scid  }
0x8b: {  	s0 =	sand.u32 $0x1, s1  }
0x8c: {  	s17 =	sshll.u32 s0, $0xA;
	s2 =	sadd.s32 s3, s2  }
0x8d: {  	s2 =	sadd.s32 s2, s17  }
0x8e: {  	[smem:$0x3FC6] =	sst s2  }
0x8f: {  	_ = 	snop  }
0x90: {  	s2 =	sld [smem:$0x3FC9]  }
0x91: {  	s18 =	sld [smem:$0x3FC8];
	(tm) =	ssettm $0x1  }
0x92: {  	s4 =	sld [smem:$0x3FFB];
	_ =	sdelay $0x3  }
0x93: {  	_ =	strace s4  }
0x94: {  	s4 =	sld [smem:$0x3FFC];
	_ =	sdelay $0x3  }
0x95: {  	_ =	strace s4  }
0x96: {  	s4 =	sld [smem:$0x3FFD];
	_ =	sdelay $0x3  }
0x97: {  	_ =	strace s4  }
0x98: {  	_ =	strace $0x8FFFFFFF  }
0x99: {  	s19 =	sld [smem:$0x3FDB];
	_ =	sdelay $0x1  }
0x9a: {  	s5 =	simm.s32 $_scs_section_size  }
0x9b: {  	s6 =	simm.s32 $_size__tile_overlayer_lowered;
	s7 =	simm.s32 $_tile_overlayer_lowered  }
0x9c: {  	s22 =	simm.s32 $0x1BFF;
	s21 =	sshll.u32 s7, $0x1;
	s4 =	sadd.s32 s5, s19  }
0x9d: {  	s8 =	simm.s32 $0x0;
	s20 =	sshll.u32 s6, $0x1;
	s6 =	sadd.s32 s21, s4  }
0x9e: {  	[timem:s8], [sflag:s22] =	dma.local [hbm:s6], s20  }
0x9f: {  	_ =	swait.ge [sflag:s22], s20  }
0xa0: {  	s5 =	ssub.s32 $0x0, s20;
	[sflag:s22] =	ssyncset.done $0x0  }
0xa1: {  	[sflag:s22] =	ssyncadd.s32 s5;
	_ =	sdelay $0x1  }
0xa2: {  	s23 =	simm.s32 $0x1B8B  }
0xa3: {  	_ =	swait.ge [sflag:s23], $0x1  }
0xa4: {  	[sflag:s23] =	ssyncset.done $0x0  }
0xa5: {  	s25 =	simm.s32 $0x1B8E;
	s24 =	sld [smem:$0x3FFE];
	[sflag:s23] =	ssyncadd.s32 $0xFFFFFFFF  }
0xa6: {  	s26 =	simm.s32 $execute0_lowered;
	[smem:$0x3FD2] =	sst s25  }
0xa7: {  	s6 =	sshll.u32 s26, $0x1;
	_ =	strace $0x80000046;
	[dreg:$0x1] =	wrdreg $0xFFFFFFFF  }
0xa8: {  	s28 =	simm.s32 $_size_execute0_lowered;
	s4 =	sadd.s32 s4, s6;
	[dreg:$0x0] =	wrdreg $0x0  }
0xa9: {  	s6 =	sshll.u32 s28, $0x1;
	[dreg:$0x2] =	wrdreg s4  }
0xaa: {  	[dreg:$0x3] =	wrdreg s6  }
0xab: {  	[dreg:$0x4] =	wrdreg $0xC0  }
0xac: {  	_ =	task [dreg:s8], $0x5FFFF  }
0xad: {  	[dreg:$0x1] =	wrdreg $0xFFFFFFFF  }
0xae: {  	[dreg:$0x0] =	wrdreg $0x60  }
0xaf: {  	[dreg:$0x2] =	wrdreg s2  }
0xb0: {  	[dreg:$0x3] =	wrdreg s18  }
0xb1: {  	[dreg:$0x4] =	wrdreg s24  }
0xb2: {  	[dreg:$0x5] =	wrdreg $0x9  }
0xb3: {  	_ =	task.clear_ibuf [dreg:s8], $0x6FFFF;
	_ =	strace $0x90000046  }
0xb4: {  	s29 =	simm.s32 $0x9;
	_ =	strace $0x80000048  }
0xb5: {  	_ =	swait.ge [sflag:s29], $0x1  }
0xb6: {  	[sflag:s29] =	ssyncadd.s32 $0xFFFFFFFF  }
0xb7: {  	_ =	strace $0x90000048  }
0xb8: {  	_ =	sfence  }
0xb9: {  	s30 =	sld [smem:$0x0];
	_ =	sdelay $0x2  }
0xba: {  	s31 =	sshll.u32 s1, $0xD;
	s1 =	sshrl.u32 s1, $0x2  }
0xbb: {  	s3 =	sand.u32 $0x4000, s31;
	s1 =	sadd.s32 s1, s30  }
0xbc: {  	s0 =	sor.u32 s3, s0;
	s1 =	sshll.u32 s1, $0x11  }
0xbd: {  	s0 =	sor.u32 s1, s0  }
0xbe: {  	s0 =	sadd.s32 $0x8F2B, s0  }
0xbf: {  	[sflag:s0] =	ssyncadd.remote.s32 $0x1  }
0xc0: {  	_ =	sfence.sel $0xFFFF  }
0xc1: {  	[dreg:$0x0] =	wrdreg $0xFFFFFFFF;
	(pc) =	sbr.abs _section_cstart, $3  }
0xc2: {  	[dreg:$0x1] =	wrdreg $0xFFFFFFFF  }
0xc3: {  	_ =	task.clear_ibuf [dreg:s8], $0x2FFFF;
	_ =	strace $0x9FFFFFFF  }
0xc4: {  	(tm) =	ssettm $0x7FFFFFFF  }
0xc5: {  	_ =	shalt  }
tec
execute0_lowered:
.L_overlay_start_1:
0x0: {  	(tag) =	ssettag $0x1  }
0x1: {  	s1 =	rddreg [dreg:$0x0]  }
0x2: {  	s3 =	rddreg [dreg:$0x1]  }
0x3: {  	s2 =	srdreg.scid;
	s0 =	stileid.u32  }
0x4: {  	s6 =	rddreg [dreg:$0x2];
	s4 =	simm.s32 $0x0;
	s11 =	simm.s32 $0x10000  }
0x5: {  	s12 =	simm.s32 $0x14000;
	s13 =	simm.s32 $0x12000;
	s14 =	simm.s32 $0x16000  }
0x6: {  	s15 =	simm.s32 $0x1;
	s16 =	simm.s32 $0x2;
	s17 =	simm.s32 $0x3  }
0x7: {  	s18 =	simm.s32 $0x4;
	s19 =	simm.s32 $0x5;
	s20 =	simm.s32 $0x0  }
0x8: {  	s5 =	sand.u32 $0x1, s2;
	s7 =	sshll.u32 s0, $0x1;
	s2 =	rddreg [dreg:$0x3]  }
0x9: {  	[smem:$0x7FF] =	sst s4;
	s9 =	sshll.u32 s0, $0x5;
	s7 =	sor.u32 s5, s7  }
0xa: {  	v0 =	vlaneseq.u32;
	s10 =	ssub.s32 $0x2, s5;
	s8 =	sshll.u32 s7, $0x9;
	s7 =	smul.u32 $0x1002, s7  }
0xb: {  	v0 =	vand.u32 $0x1, v0;
	_ =	strace $0x80000047;
	s29 =	sshrl.u32 s10, $0x1;
	s28 =	sor.u32 s9, s8  }
0xc: {  	v0 =	vmul.u32 $0x8000, v0;
	s10 =	ssub.s32 s10, s29;
	s5 =	sand.u32 $0x1F00, s28;
	s30 =	sadd.s32 s7, s6  }
0xd: {  	s10 =	smax.u32 s10, $0x1;
	s31 =	sshll.u32 s5, $0x6;
	s8 =	sor.u32 $0x20, s5  }
0xe: {  	v1 =	vimm.f32 $0.0e+00;
	v2 =	vimm.f32 $1.000000000e+00;
	v3 =	vor.u32 $0x4000, v0;
	s9 =	sadd.s32 $0x600, s30;
	s6 =	sadd.s32 s1, s31;
	s7 =	sadd.s32 s3, s31  }
.LBB2_1:
0xf: {  	s21 =	simm.s32 $0x40  }
0x10: {  	[tilespmem:s21+$0xFFFFFFC0] =	vst v1  }
0x11: {  	[tilespmem:s21+$0x30] =	vst v1  }
0x12: {  	[tilespmem:s21+$0x20] =	vst v1  }
0x13: {  	[tilespmem:s21+$0x10] =	vst v1  }
0x14: {  	[tilespmem:s21+$0x0] =	vst v1  }
0x15: {  	[tilespmem:s21+$0xFFFFFFF0] =	vst v1  }
0x16: {  	s22 =	simm.s32 $0x0;
	[tilespmem:s21+$0xFFFFFFE0] =	vst v1  }
.LBB2_2:
0x17: {  	s22 =	sadd.s32 $0x80, s22;
	[tilespmem:s21+$0xFFFFFFD0] =	vst v1;
	s21 =	sadd.s32 $0x80, s21  }
0x18: {  	[tilespmem:s21+$0xFFFFFFC0] =	vst v1;
	p0 =	slt.u32 s22, $0xFF80  }
0x19: {  	[tilespmem:s21+$0x30] =	vst v1  }
.Ltmp0:
0x1a: {  	[tilespmem:s21+$0x20] =	vst v1;
	(pc) =	sbr.rel @p0 .LBB2_2-.Ltmp0, $4  }
0x1b: {  	[tilespmem:s21+$0x10] =	vst v1  }
0x1c: {  	[tilespmem:s21+$0x0] =	vst v1  }
0x1d: {  	[tilespmem:s21+$0xFFFFFFF0] =	vst v1  }
0x1e: {  	[tilespmem:s21+$0xFFFFFFE0] =	vst v1  }
0x1f: {  	[tilespmem:s21+$0xFFFFFFD0] =	vst v1;
	s21 =	simm.s32 $0x0  }
0x20: {  	[tilespmem:s11], [sflag:$0x1] =	stream.linear.gather [hbm4b:s6+s21], $0x2000, $0x38;
	[tilespmem:$0x18000] =	vst v63  }
0x21: {  	s22 =	simm.s32 $0x0  }
0x22: {  	v4 =	vimm.f32 $0.0e+00;
	[tilespmem:s12], [sflag:$0x2] =	stream.linear.gather [hbm4b:s7+s21], $0x2000, $0x38;
	[tilespmem:$0x18000] =	vst v63  }
.LBB2_4:
0x23: {  	s23 =	sshll.u32 s22, $0x5  }
0x24: {  	s24 =	sor.u32 s23, s5  }
0x25: {  	s24 =	sshll.u32 s24, $0x6  }
0x26: {  	s24 =	sor.u32 $0x400, s24  }
0x27: {  	s25 =	sadd.s32 s1, s24  }
0x28: {  	[tilespmem:s13], [sflag:$0x3] =	stream.linear.gather [hbm4b:s25+s21], $0x2000, $0x38;
	[tilespmem:$0x18000] =	vst v63  }
0x29: {  	s24 =	sadd.s32 s3, s24  }
0x2a: {  	[tilespmem:s14], [sflag:$0x4] =	stream.linear.gather [hbm4b:s24+s21], $0x2000, $0x38;
	[tilespmem:$0x18000] =	vst v63  }
0x2b: {  	_ =	swait.ge [sflag:s15], $0x2000  }
0x2c: {  	[sflag:s15] =	ssyncset.done $0x0  }
0x2d: {  	s24 =	simm.s32 $0x0;
	[sflag:s15] =	ssyncadd.s32 $0xFFFFE000  }
0x2e: {  	s26 =	sand.u32 $0xC00, s21;
	s30 =	sand.u32 $0x1000, s24;
	_ =	swait.ge [sflag:s16], $0x2000  }
0x2f: {  	s31 =	sand.u32 $0x380, s21;
	s25 =	sor.u32 s30, s26;
	[sflag:s16] =	ssyncset.done $0x0  }
0x30: {  	s25 =	sor.u32 s31, s25;
	[sflag:s16] =	ssyncadd.s32 $0xFFFFE000  }
0x31: {  	v5 =	vld [tilespmem:s25+$0x14000];
	_ =	sdelay $0x1  }
0x32: {  	v6 =	vld [tilespmem:s25+$0x14010];
	_ =	sdelay $0x1  }
0x33: {  	v7 =	vld [tilespmem:s25+$0x14020]  }
0x34: {  	v8 =	vcvt.s32.f32 v5  }
0x35: {  	v9 =	vld [tilespmem:s25+$0x14030]  }
0x36: {  	v10 =	vld [tilespmem:s25+$0x10000];
	v11 =	vcvt.s32.f32 v6;
	v4 =	vadd.f32 v8, v4  }
0x37: {  	v13 =	vshll.u32 v5, $0xD;
	v5 =	vadd.f32 v8, v8;
	v8 =	vld [tilespmem:s25+$0x14040]  }
0x38: {  	v12 =	vld [tilespmem:s25+$0x10010];
	v14 =	vshll.u32 v6, $0xD;
	v6 =	vcvt.s32.f32 v7;
	v4 =	vadd.f32 v11, v4  }
0x39: {  	v16 =	vld [tilespmem:s25+$0x14050];
	v15 =	vshll.u32 v7, $0xD;
	v11 =	vadd.f32 v11, v11;
	v5 =	vadd.f32 $-1.000000000e+00, v5  }
0x3a: {  	v7 =	vld [tilespmem:s25+$0x10020];
	v17 =	vadd.f32 v6, v6;
	v4 =	vadd.f32 v6, v4;
	v6 =	vcvt.s32.f32 v9  }
0x3b: {  	v18 =	vld [tilespmem:s25+$0x14060];
	v25 =	vshll.u32 v9, $0xD;
	v5 =	vmul.f32 v5, v10;
	v10 =	vadd.f32 $-1.000000000e+00, v11  }
0x3c: {  	v11 =	vld [tilespmem:s25+$0x10030];
	v19 =	vadd.f32 v6, v6;
	v4 =	vadd.f32 v6, v4;
	v6 =	vcvt.s32.f32 v8  }
0x3d: {  	v9 =	vsub.f32 $1.000000000e+00, v5;
	v5 =	vmul.f32 v10, v12;
	v12 =	vadd.f32 $-1.000000000e+00, v17;
	v17 =	vld [tilespmem:s25+$0x14070]  }
0x3e: {  	v20 =	vld [tilespmem:s25+$0x10040];
	v21 =	vadd.f32 v6, v6;
	v4 =	vadd.f32 v6, v4;
	v6 =	vcvt.s32.f32 v16  }
0x3f: {  	v10 =	vsub.f32 $1.000000000e+00, v5;
	v5 =	vmul.f32 v12, v7;
	v12 =	vadd.f32 $-1.000000000e+00, v19  }
0x40: {  	v22 =	vadd.f32 v6, v6;
	v4 =	vadd.f32 v6, v4;
	v6 =	vcvt.s32.f32 v18  }
0x41: {  	v19 =	vld [tilespmem:s25+$0x10050];
	v7 =	vsub.f32 $1.000000000e+00, v5;
	v5 =	vmul.f32 v12, v11;
	v11 =	vadd.f32 $-1.000000000e+00, v21  }
0x42: {  	v23 =	vadd.f32 v6, v6;
	v4 =	vadd.f32 v6, v4;
	v6 =	vcvt.s32.f32 v17  }
0x43: {  	v30 =	vshll.u32 v16, $0xD;
	v21 =	vld [tilespmem:s25+$0x10060];
	v5 =	vsub.f32 $1.000000000e+00, v5;
	v11 =	vmul.f32 v11, v20  }
0x44: {  	v31 =	vshll.u32 v18, $0xD;
	v20 =	vadd.f32 $-1.000000000e+00, v22;
	v26 =	vadd.f32 v6, v6  }
0x45: {  	v22 =	vmul.f32 $1.024000000e+03, v9;
	v12 =	vadd.f32 v6, v4;
	v4 =	vsub.f32 $1.000000000e+00, v11  }
0x46: {  	v24 =	vld [tilespmem:s25+$0x10070];
	v6 =	vmul.f32 v20, v19;
	v11 =	vadd.f32 $-1.000000000e+00, v23;
	v19 =	vmul.f32 $1.024000000e+03, v10  }
0x47: {  	v29 =	vshll.u32 v8, $0xD;
	v20 =	vmul.f32 $1.024000000e+03, v7;
	v22 =	vtrunc.f32 v22  }
0x48: {  	v23 =	vadd.f32 $-1.000000000e+00, v26;
	v26 =	vmul.f32 $1.024000000e+03, v5;
	v11 =	vmul.f32 v11, v21  }
0x49: {  	vm1 =	vgt.f32 v9, $0.0e+00;
	v21 =	vmul.f32 $1.024000000e+03, v4;
	v19 =	vtrunc.f32 v19  }
0x4a: {  	v6 =	vsub.f32 $1.000000000e+00, v6;
	v20 =	vtrunc.f32 v20;
	v19 =	vcvt.f32.s32 v19  }
0x4b: {  	vm0 =	vgt.f32 v10, $0.0e+00;
	v20 =	vcvt.f32.s32 v20;
	v8 =	vmul.f32 v23, v24  }
0x4c: {  	v23 =	vmul.f32 $1.024000000e+03, v6;
	v11 =	vsub.f32 $1.000000000e+00, v11;
	v24 =	vtrunc.f32 v26  }
0x4d: {  	v26 =	vtrunc.f32 v21;
	v21 =	vshll.u32 v17, $0xD;
	v17 =	vcvt.f32.s32 v22  }
0x4e: {  	v22 =	vcvt.f32.s32 v24;
	v24 =	vcvt.f32.s32 v26;
	vm3 =	vgt.s32 v19, $0x0  }
0x4f: {  	vm4 =	vgt.s32 v20, $0x0;
	v8 =	vsub.f32 $1.000000000e+00, v8;
	v16 =	vmul.f32 $1.024000000e+03, v11  }
0x50: {  	v23 =	vtrunc.f32 v23;
	vm2 =	vgt.s32 v17, $0x0;
	v19 =	vnsel vm3, $0x0, v19  }
0x51: {  	v20 =	vnsel vm4, $0x0, v20;
	v23 =	vcvt.f32.s32 v23;
	vm5 =	vgt.s32 v22, $0x0  }
0x52: {  	vm6 =	vgt.s32 v24, $0x0;
	v17 =	vnsel vm2, $0x0, v17;
	v18 =	vmul.f32 $1.024000000e+03, v8  }
0x53: {  	v16 =	vtrunc.f32 v16;
	v26 =	vnsel vm5, $0x0, v22;
	v27 =	vnsel vm6, $0x0, v24  }
0x54: {  	v24 =	vmin.u32 v17, $0x1FFF;
	v22 =	vmin.u32 v20, $0x1FFF;
	v16 =	vcvt.f32.s32 v16  }
0x55: {  	vm7 =	vgt.s32 v23, $0x0;
	v20 =	vmin.u32 v26, $0x1FFF;
	v26 =	vor.u32 v15, v22  }
0x56: {  	v18 =	vtrunc.f32 v18;
	v28 =	vnsel vm7, $0x0, v23;
	v23 =	vmin.u32 v19, $0x1FFF  }
0x57: {  	v19 =	vmin.u32 v27, $0x1FFF;
	v18 =	vcvt.f32.s32 v18;
	vm8 =	vgt.s32 v16, $0x0  }
0x58: {  	v27 =	vor.u32 v13, v24;
	v25 =	vor.u32 v25, v20;
	v16 =	vnsel vm8, $0x0, v16  }
0x59: {  	vm2 =	vgt.s32 v18, $0x0;
	v17 =	vmin.u32 v16, $0x1FFF;
	v16 =	vor.u32 v29, v19  }
0x5a: {  	v32 =	vnsel vm2, $0x0, v18;
	v18 =	vmin.u32 v28, $0x1FFF;
	v28 =	vor.u32 v14, v23  }
0x5b: {  	s26 =	simm.s32 $0x0;
	s25 =	simm.s32 $0x0;
	v14 =	vor.u32 v31, v17;
	v13 =	vmin.u32 v32, $0x1FFF;
	v15 =	vor.u32 v30, v18  }
.LBB2_5:
0x5c: {  	v29 =	vadd.s32 v0, v27;
	v27 =	vadd.s32 v3, v27;
	v21 =	vor.u32 v21, v13  }
0x5d: {  	v30 =	vadd.s32 v0, v28;
	v28 =	vadd.s32 v3, v28;
	v31 =	vadd.s32 v0, v26  }
0x5e: {  	v26 =	vadd.s32 v3, v26;
	v32 =	vadd.s32 v0, v25;
	v25 =	vadd.s32 v3, v25  }
0x5f: {  	v33 =	vadd.s32 v0, v16;
	v16 =	vadd.s32 v3, v16;
	v34 =	vadd.s32 v0, v15  }
0x60: {  	v15 =	vadd.s32 v3, v15;
	v35 =	vadd.s32 v0, v14;
	v14 =	vadd.s32 v3, v14  }
0x61: {  	v29 =	vand.u32 $0xFFFFFF80, v29;
	v36 =	vadd.s32 v0, v21;
	v21 =	vadd.s32 v3, v21  }
0x62: {  	v27 =	vand.u32 $0xFFFFFF80, v27;
	v30 =	vand.u32 $0xFFFFFF80, v30;
	v28 =	vand.u32 $0xFFFFFF80, v28  }
0x63: {  	v31 =	vand.u32 $0xFFFFFF80, v31;
	v26 =	vand.u32 $0xFFFFFF80, v26;
	v32 =	vand.u32 $0xFFFFFF80, v32  }
0x64: {  	v25 =	vand.u32 $0xFFFFFF80, v25;
	v33 =	vand.u32 $0xFFFFFF80, v33;
	v16 =	vand.u32 $0xFFFFFF80, v16  }
0x65: {  	v34 =	vand.u32 $0xFFFFFF80, v34;
	v15 =	vand.u32 $0xFFFFFF80, v15;
	v35 =	vand.u32 $0xFFFFFF80, v35  }
0x66: {  	s24 =	sadd.s32 $0x80, s24;
	s25 =	sadd.s32 $0x400, s25;
	v14 =	vand.u32 $0xFFFFFF80, v14;
	v36 =	vand.u32 $0xFFFFFF80, v36;
	v21 =	vand.u32 $0xFFFFFF80, v21  }
0x67: {  	v24 =	vand.u32 $0x7F, v24;
	v23 =	vand.u32 $0x7F, v23;
	v22 =	vand.u32 $0x7F, v22;
	s26 =	sadd.s32 $0x20, s26;
	s28 =	sand.u32 $0x1000, s24;
	s29 =	sand.u32 $0xC00, s25  }
0x68: {  	v20 =	vand.u32 $0x7F, v20;
	v19 =	vand.u32 $0x7F, v19;
	v18 =	vand.u32 $0x7F, v18;
	p0 =	slt.u32 s24, $0x1F80;
	s28 =	sor.u32 s28, s29;
	s29 =	sand.u32 $0x380, s26  }
0x69: {  	v17 =	vand.u32 $0x7F, v17;
	v13 =	vand.u32 $0x7F, v13;
	v29 =	vor.u32 v24, v29;
	s28 =	sor.u32 s29, s28  }
0x6a: {  	v24 =	vor.u32 v24, v27;
	v27 =	vor.u32 v23, v30;
	v23 =	vor.u32 v23, v28;
	v37 =	vld [tilespmem:s28+$0x14000]  }
0x6b: {  	v30 =	vor.u32 v22, v31;
	v22 =	vor.u32 v22, v26;
	v26 =	vor.u32 v20, v32;
	v28 =	vld [tilespmem:s28+$0x10000]  }
0x6c: {  	v25 =	vor.u32 v20, v25;
	v32 =	vor.u32 v19, v33;
	v33 =	vor.u32 v19, v16;
	v31 =	vld [tilespmem:s28+$0x14010]  }
0x6d: {  	v34 =	vor.u32 v18, v34;
	v39 =	vor.u32 v18, v15;
	v20 =	vor.u32 v17, v35;
	v38 =	vld [tilespmem:s28+$0x10010]  }
0x6e: {  	v19 =	vor.u32 v17, v14;
	v18 =	vor.u32 v13, v36;
	v17 =	vor.u32 v13, v21;
	v15 =	vld [tilespmem:s28+$0x14020]  }
0x6f: {  	vm7 =	vgt.f32 v7, $0.0e+00;
	v14 =	vcvt.s32.f32 v37;
	v13 =	vshll.u32 v37, $0xD;
	v21 =	vld [tilespmem:s28+$0x10020]  }
0x70: {  	vm6 =	vgt.f32 v5, $0.0e+00;
	vm5 =	vgt.f32 v4, $0.0e+00;
	vm4 =	vgt.f32 v6, $0.0e+00;
	v16 =	vld [tilespmem:s28+$0x14030]  }
0x71: {  	v35 =	vadd.f32 v14, v14;
	v12 =	vadd.f32 v14, v12;
	v36 =	vcvt.s32.f32 v31;
	v37 =	vld [tilespmem:s28+$0x10030]  }
0x72: {  	vm3 =	vgt.f32 v11, $0.0e+00;
	vm2 =	vgt.f32 v8, $0.0e+00;
	v14 =	vshll.u32 v31, $0xD;
	v31 =	vld [tilespmem:s28+$0x14040]  }
0x73: {  	v40 =	vadd.f32 v36, v36;
	v12 =	vadd.f32 v36, v12;
	v36 =	vcvt.s32.f32 v15;
	v41 =	vld [tilespmem:s28+$0x10040]  }
0x74: {  	v35 =	vadd.f32 $-1.000000000e+00, v35;
	v15 =	vshll.u32 v15, $0xD;
	v42 =	vld [tilespmem:s28+$0x14050]  }
0x75: {  	v43 =	vadd.f32 v36, v36;
	v12 =	vadd.f32 v36, v12;
	v36 =	vcvt.s32.f32 v16;
	v44 =	vld [tilespmem:s28+$0x10050]  }
0x76: {  	v28 =	vmul.f32 v35, v28;
	v35 =	vadd.f32 $-1.000000000e+00, v40;
	v16 =	vshll.u32 v16, $0xD;
	v40 =	vld [tilespmem:s28+$0x14060]  }
0x77: {  	v45 =	vadd.f32 v36, v36;
	v12 =	vadd.f32 v36, v12;
	v36 =	vcvt.s32.f32 v31;
	v46 =	vld [tilespmem:s28+$0x10060]  }
0x78: {  	v28 =	vsub.f32 $1.000000000e+00, v28;
	v35 =	vmul.f32 v35, v38;
	v38 =	vadd.f32 $-1.000000000e+00, v43;
	v43 =	vld [tilespmem:s28+$0x14070]  }
0x79: {  	v47 =	vadd.f32 v36, v36;
	v12 =	vadd.f32 v36, v12;
	v36 =	vcvt.s32.f32 v42;
	v48 =	vld [tilespmem:s28+$0x10070]  }
0x7a: {  	v35 =	vsub.f32 $1.000000000e+00, v35;
	v21 =	vmul.f32 v38, v21;
	v38 =	vadd.f32 $-1.000000000e+00, v45;
	[tilespmem:v29+s4+$0x0] =	vst.idx.add.f32.msk vm1, v2  }
0x7b: {  	v29 =	vadd.f32 v36, v36;
	v12 =	vadd.f32 v36, v12;
	v36 =	vcvt.s32.f32 v40;
	[tilespmem:v24+s4+$0x0] =	vst.idx.add.f32.msk vm1, v9  }
0x7c: {  	v21 =	vsub.f32 $1.000000000e+00, v21;
	v24 =	vmul.f32 v38, v37;
	v37 =	vadd.f32 $-1.000000000e+00, v47;
	v9 =	vmovc v28;
	[tilespmem:v27+s4+$0x0] =	vst.idx.add.f32.msk vm0, v2  }
0x7d: {  	v27 =	vadd.f32 v36, v36;
	v12 =	vadd.f32 v36, v12;
	v28 =	vcvt.s32.f32 v43;
	[tilespmem:v23+s4+$0x0] =	vst.idx.add.f32.msk vm0, v10  }
0x7e: {  	v23 =	vsub.f32 $1.000000000e+00, v24;
	v24 =	vmul.f32 v37, v41;
	v29 =	vadd.f32 $-1.000000000e+00, v29;
	v10 =	vmovc v35;
	[tilespmem:v30+s4+$0x0] =	vst.idx.add.f32.msk vm7, v2  }
0x7f: {  	v30 =	vmul.f32 $1.024000000e+03, v9;
	v35 =	vadd.f32 v28, v28;
	v12 =	vadd.f32 v28, v12;
	[tilespmem:v22+s4+$0x0] =	vst.idx.add.f32.msk vm7, v7  }
0x80: {  	v22 =	vsub.f32 $1.000000000e+00, v24;
	v24 =	vmul.f32 v29, v44;
	v27 =	vadd.f32 $-1.000000000e+00, v27;
	v7 =	vmovc v21;
	[tilespmem:v26+s4+$0x0] =	vst.idx.add.f32.msk vm6, v2  }
0x81: {  	v21 =	vmul.f32 $1.024000000e+03, v10;
	v26 =	vmul.f32 $1.024000000e+03, v7;
	v28 =	vadd.f32 $-1.000000000e+00, v35;
	[tilespmem:v25+s4+$0x0] =	vst.idx.add.f32.msk vm6, v5;
	v5 =	vmovc v23  }
0x82: {  	v24 =	vsub.f32 $1.000000000e+00, v24;
	v25 =	vmul.f32 v27, v46;
	v23 =	vmul.f32 $1.024000000e+03, v5;
	[tilespmem:v32+s4+$0x0] =	vst.idx.add.f32.msk vm5, v2  }
0x83: {  	v29 =	vshll.u32 v31, $0xD;
	v27 =	vmul.f32 $1.024000000e+03, v22;
	v28 =	vmul.f32 v28, v48;
	[tilespmem:v33+s4+$0x0] =	vst.idx.add.f32.msk vm5, v4;
	v4 =	vmovc v22  }
0x84: {  	v22 =	vtrunc.f32 v30;
	v30 =	vmul.f32 $1.024000000e+03, v24;
	v25 =	vsub.f32 $1.000000000e+00, v25;
	[tilespmem:v34+s4+$0x0] =	vst.idx.add.f32.msk vm4, v2  }
0x85: {  	v31 =	vtrunc.f32 v21;
	v26 =	vtrunc.f32 v26;
	v28 =	vsub.f32 $1.000000000e+00, v28;
	[tilespmem:v39+s4+$0x0] =	vst.idx.add.f32.msk vm4, v6;
	v6 =	vmovc v24  }
0x86: {  	v32 =	vshll.u32 v42, $0xD;
	v23 =	vtrunc.f32 v23;
	v21 =	vmul.f32 $1.024000000e+03, v25;
	[tilespmem:v20+s4+$0x0] =	vst.idx.add.f32.msk vm3, v2  }
0x87: {  	v33 =	vshll.u32 v40, $0xD;
	v20 =	vtrunc.f32 v27;
	v24 =	vmul.f32 $1.024000000e+03, v28;
	[tilespmem:v19+s4+$0x0] =	vst.idx.add.f32.msk vm3, v11;
	v11 =	vmovc v25  }
0x88: {  	v19 =	vtrunc.f32 v30;
	v25 =	vtrunc.f32 v21;
	v21 =	vshll.u32 v43, $0xD;
	[tilespmem:v18+s4+$0x0] =	vst.idx.add.f32.msk vm2, v2  }
0x89: {  	vm1 =	vgt.f32 v9, $0.0e+00;
	v18 =	vcvt.f32.s32 v22;
	v22 =	vtrunc.f32 v24;
	[tilespmem:v17+s4+$0x0] =	vst.idx.add.f32.msk vm2, v8;
	v8 =	vmovc v28  }
0x8a: {  	vm0 =	vgt.f32 v10, $0.0e+00;
	v17 =	vcvt.f32.s32 v31;
	v24 =	vcvt.f32.s32 v26  }
0x8b: {  	v23 =	vcvt.f32.s32 v23;
	v20 =	vcvt.f32.s32 v20;
	vm2 =	vgt.s32 v18, $0x0  }
0x8c: {  	v19 =	vcvt.f32.s32 v19;
	v25 =	vcvt.f32.s32 v25;
	vm3 =	vgt.s32 v17, $0x0  }
0x8d: {  	vm5 =	vgt.s32 v23, $0x0;
	v22 =	vcvt.f32.s32 v22;
	vm4 =	vgt.s32 v24, $0x0  }
0x8e: {  	vm6 =	vgt.s32 v20, $0x0;
	vm7 =	vgt.s32 v19, $0x0;
	vm8 =	vgt.s32 v25, $0x0  }
0x8f: {  	v18 =	vnsel vm2, $0x0, v18;
	v17 =	vnsel vm3, $0x0, v17;
	vm2 =	vgt.s32 v22, $0x0  }
0x90: {  	v27 =	vnsel vm5, $0x0, v23;
	v28 =	vnsel vm6, $0x0, v20;
	v26 =	vnsel vm4, $0x0, v24  }
0x91: {  	v30 =	vnsel vm7, $0x0, v19;
	v25 =	vnsel vm8, $0x0, v25;
	v31 =	vnsel vm2, $0x0, v22  }
.Ltmp1:
0x92: {  	v24 =	vmin.u32 v18, $0x1FFF;
	v23 =	vmin.u32 v17, $0x1FFF;
	v22 =	vmin.u32 v26, $0x1FFF;
	(pc) =	sbr.rel @p0 .LBB2_5-.Ltmp1, $4  }
0x93: {  	v20 =	vmin.u32 v27, $0x1FFF;
	v19 =	vmin.u32 v28, $0x1FFF;
	v18 =	vmin.u32 v30, $0x1FFF  }
0x94: {  	v27 =	vor.u32 v13, v24;
	v17 =	vmin.u32 v25, $0x1FFF;
	v13 =	vmin.u32 v31, $0x1FFF  }
0x95: {  	v25 =	vor.u32 v16, v20;
	v28 =	vor.u32 v14, v23;
	v26 =	vor.u32 v15, v22  }
0x96: {  	v16 =	vor.u32 v29, v19;
	v15 =	vor.u32 v32, v18;
	v14 =	vor.u32 v33, v17  }
0x97: {  	v29 =	vadd.s32 v0, v27;
	v27 =	vadd.s32 v3, v27;
	v21 =	vor.u32 v21, v13  }
0x98: {  	v30 =	vadd.s32 v0, v28;
	v28 =	vadd.s32 v3, v28;
	v31 =	vadd.s32 v0, v26  }
0x99: {  	v26 =	vadd.s32 v3, v26;
	v32 =	vadd.s32 v0, v25;
	v25 =	vadd.s32 v3, v25  }
0x9a: {  	v33 =	vadd.s32 v0, v16;
	v16 =	vadd.s32 v3, v16;
	v34 =	vadd.s32 v0, v15  }
0x9b: {  	v15 =	vadd.s32 v3, v15;
	v35 =	vadd.s32 v0, v14;
	v14 =	vadd.s32 v3, v14  }
0x9c: {  	v24 =	vand.u32 $0x7F, v24;
	v23 =	vand.u32 $0x7F, v23;
	v29 =	vand.u32 $0xFFFFFF80, v29  }
0x9d: {  	v22 =	vand.u32 $0x7F, v22;
	v27 =	vand.u32 $0xFFFFFF80, v27;
	v29 =	vor.u32 v24, v29  }
0x9e: {  	vm2 =	vgt.f32 v7, $0.0e+00;
	v30 =	vand.u32 $0xFFFFFF80, v30;
	v24 =	vor.u32 v24, v27  }
0x9f: {  	v20 =	vand.u32 $0x7F, v20;
	v27 =	vand.u32 $0xFFFFFF80, v28;
	v30 =	vor.u32 v23, v30  }
0xa0: {  	vm3 =	vgt.f32 v5, $0.0e+00;
	v28 =	vand.u32 $0xFFFFFF80, v31;
	v23 =	vor.u32 v23, v27  }
0xa1: {  	v36 =	vadd.s32 v0, v21;
	v26 =	vand.u32 $0xFFFFFF80, v26;
	v28 =	vor.u32 v22, v28  }
0xa2: {  	v25 =	vand.u32 $0xFFFFFF80, v25;
	v27 =	vand.u32 $0xFFFFFF80, v32;
	v22 =	vor.u32 v22, v26;
	[tilespmem:v29+s4+$0x0] =	vst.idx.add.f32.msk vm1, v2  }
0xa3: {  	v26 =	vand.u32 $0xFFFFFF80, v33;
	v27 =	vor.u32 v20, v27;
	[tilespmem:v24+s4+$0x0] =	vst.idx.add.f32.msk vm1, v9;
	v9 =	vand.u32 $0x7F, v19  }
0xa4: {  	[tilespmem:v30+s4+$0x0] =	vst.idx.add.f32.msk vm0, v2;
	v19 =	vor.u32 v20, v25;
	vm1 =	vgt.f32 v4, $0.0e+00;
	v20 =	vand.u32 $0xFFFFFF80, v34  }
0xa5: {  	[tilespmem:v23+s4+$0x0] =	vst.idx.add.f32.msk vm0, v10;
	v10 =	vand.u32 $0x7F, v18;
	vm0 =	vgt.f32 v6, $0.0e+00;
	v24 =	vor.u32 v9, v26  }
0xa6: {  	v21 =	vadd.s32 v3, v21;
	v16 =	vand.u32 $0xFFFFFF80, v16;
	[tilespmem:v28+s4+$0x0] =	vst.idx.add.f32.msk vm2, v2;
	v18 =	vor.u32 v10, v20  }
0xa7: {  	v15 =	vand.u32 $0xFFFFFF80, v15;
	v9 =	vor.u32 v9, v16;
	v16 =	vand.u32 $0xFFFFFF80, v35;
	[tilespmem:v22+s4+$0x0] =	vst.idx.add.f32.msk vm2, v7  }
0xa8: {  	v7 =	vand.u32 $0x7F, v17;
	v10 =	vor.u32 v10, v15;
	vm2 =	vgt.f32 v11, $0.0e+00;
	[tilespmem:v27+s4+$0x0] =	vst.idx.add.f32.msk vm3, v2  }
0xa9: {  	v14 =	vand.u32 $0xFFFFFF80, v14;
	v15 =	vand.u32 $0xFFFFFF80, v36;
	v16 =	vor.u32 v7, v16;
	[tilespmem:v19+s4+$0x0] =	vst.idx.add.f32.msk vm3, v5  }
0xaa: {  	v7 =	vor.u32 v7, v14;
	v5 =	vand.u32 $0x7F, v13;
	vm3 =	vgt.f32 v8, $0.0e+00;
	[tilespmem:v24+s4+$0x0] =	vst.idx.add.f32.msk vm1, v2  }
0xab: {  	v13 =	vand.u32 $0xFFFFFF80, v21;
	v14 =	vor.u32 v5, v15;
	[tilespmem:v18+s4+$0x0] =	vst.idx.add.f32.msk vm0, v2  }
0xac: {  	[tilespmem:v9+s4+$0x0] =	vst.idx.add.f32.msk vm1, v4;
	v4 =	vor.u32 v5, v13  }
0xad: {  	[tilespmem:v10+s4+$0x0] =	vst.idx.add.f32.msk vm0, v6  }
0xae: {  	p0 =	seq.s32 s22, $0x7;
	[tilespmem:v16+s4+$0x0] =	vst.idx.add.f32.msk vm2, v2  }
0xaf: {  	s23 =	sadd.s32 @!p0 s23, s8;
	[tilespmem:v7+s4+$0x0] =	vst.idx.add.f32.msk vm2, v11  }
0xb0: {  	s23 =	sshll.u32 @!p0 s23, $0x6;
	[tilespmem:v14+s4+$0x0] =	vst.idx.add.f32.msk vm3, v2  }
0xb1: {  	s25 =	simm.s32 @!p0 $0x0;
	s26 =	simm.s32 @!p0 $0x10000;
	s24 =	sadd.s32 @!p0 s1, s23;
	[tilespmem:v4+s4+$0x0] =	vst.idx.add.f32.msk vm3, v8  }
0xb2: {  	[tilespmem:s26], [sflag:$0x1] =	stream.linear.gather @!p0 [hbm4b:s24+s25], $0x2000, $0x38;
	[tilespmem:$0x18000] =	vst v63  }
0xb3: {  	s23 =	sadd.s32 @!p0 s3, s23;
	s24 =	simm.s32 @!p0 $0x14000  }
0xb4: {  	[tilespmem:s24], [sflag:$0x2] =	stream.linear.gather @!p0 [hbm4b:s23+s25], $0x2000, $0x38;
	[tilespmem:$0x18000] =	vst v63  }
0xb5: {  	_ =	swait.ge [sflag:s17], $0x2000  }
0xb6: {  	[sflag:s17] =	ssyncset.done $0x0  }
0xb7: {  	s23 =	simm.s32 $0x0;
	s24 =	simm.s32 $0x0;
	[sflag:s17] =	ssyncadd.s32 $0xFFFFE000  }
0xb8: {  	s29 =	sand.u32 $0x1000, s24;
	s30 =	sand.u32 $0xC00, s23;
	_ =	swait.ge [sflag:s18], $0x2000  }
0xb9: {  	s31 =	sand.u32 $0x380, s23;
	s25 =	sor.u32 s29, s30;
	[sflag:s18] =	ssyncset.done $0x0  }
0xba: {  	s25 =	sor.u32 s31, s25;
	[sflag:s18] =	ssyncadd.s32 $0xFFFFE000  }
0xbb: {  	v4 =	vld [tilespmem:s25+$0x16000];
	_ =	sdelay $0x1  }
0xbc: {  	v5 =	vld [tilespmem:s25+$0x16010];
	_ =	sdelay $0x1  }
0xbd: {  	v6 =	vld [tilespmem:s25+$0x16020]  }
0xbe: {  	v7 =	vcvt.s32.f32 v4  }
0xbf: {  	v8 =	vld [tilespmem:s25+$0x16030]  }
0xc0: {  	v9 =	vld [tilespmem:s25+$0x12000];
	v11 =	vcvt.s32.f32 v5;
	v10 =	vadd.f32 v7, v12  }
0xc1: {  	v13 =	vshll.u32 v4, $0xD;
	v4 =	vadd.f32 v7, v7;
	v12 =	vld [tilespmem:s25+$0x16040]  }
0xc2: {  	v14 =	vshll.u32 v5, $0xD;
	v7 =	vld [tilespmem:s25+$0x12010];
	v5 =	vadd.f32 v11, v10;
	v10 =	vcvt.s32.f32 v6  }
0xc3: {  	v16 =	vld [tilespmem:s25+$0x16050];
	v15 =	vshll.u32 v6, $0xD;
	v11 =	vadd.f32 v11, v11;
	v4 =	vadd.f32 $-1.000000000e+00, v4  }
0xc4: {  	v6 =	vld [tilespmem:s25+$0x12020];
	v17 =	vadd.f32 v10, v10;
	v5 =	vadd.f32 v10, v5;
	v10 =	vcvt.s32.f32 v8  }
0xc5: {  	v18 =	vld [tilespmem:s25+$0x16060];
	v25 =	vshll.u32 v8, $0xD;
	v4 =	vmul.f32 v4, v9;
	v11 =	vadd.f32 $-1.000000000e+00, v11  }
0xc6: {  	v19 =	vld [tilespmem:s25+$0x12030];
	v8 =	vadd.f32 v10, v10;
	v5 =	vadd.f32 v10, v5;
	v10 =	vcvt.s32.f32 v12  }
0xc7: {  	v9 =	vsub.f32 $1.000000000e+00, v4;
	v4 =	vmul.f32 v11, v7;
	v7 =	vadd.f32 $-1.000000000e+00, v17;
	v17 =	vld [tilespmem:s25+$0x16070]  }
0xc8: {  	v21 =	vcvt.s32.f32 v16;
	v11 =	vld [tilespmem:s25+$0x12040];
	v20 =	vadd.f32 v10, v10;
	v5 =	vadd.f32 v10, v5  }
0xc9: {  	v10 =	vsub.f32 $1.000000000e+00, v4;
	v4 =	vmul.f32 v7, v6;
	v6 =	vadd.f32 $-1.000000000e+00, v8  }
0xca: {  	v22 =	vadd.f32 v21, v21;
	v5 =	vadd.f32 v21, v5;
	v21 =	vcvt.s32.f32 v18  }
0xcb: {  	v7 =	vld [tilespmem:s25+$0x12050];
	v8 =	vsub.f32 $1.000000000e+00, v4;
	v4 =	vmul.f32 v6, v19;
	v19 =	vadd.f32 $-1.000000000e+00, v20  }
0xcc: {  	v23 =	vadd.f32 v21, v21;
	v5 =	vadd.f32 v21, v5;
	v21 =	vcvt.s32.f32 v17  }
0xcd: {  	v30 =	vshll.u32 v16, $0xD;
	v20 =	vld [tilespmem:s25+$0x12060];
	v6 =	vsub.f32 $1.000000000e+00, v4;
	v11 =	vmul.f32 v19, v11  }
0xce: {  	v31 =	vshll.u32 v18, $0xD;
	v19 =	vadd.f32 $-1.000000000e+00, v22;
	v26 =	vadd.f32 v21, v21  }
0xcf: {  	v22 =	vmul.f32 $1.024000000e+03, v9;
	v4 =	vadd.f32 v21, v5;
	v5 =	vsub.f32 $1.000000000e+00, v11  }
0xd0: {  	v7 =	vmul.f32 v19, v7;
	v11 =	vadd.f32 $-1.000000000e+00, v23;
	v19 =	vmul.f32 $1.024000000e+03, v10  }
0xd1: {  	v24 =	vld [tilespmem:s25+$0x12070];
	v29 =	vshll.u32 v12, $0xD;
	v21 =	vmul.f32 $1.024000000e+03, v8;
	v22 =	vtrunc.f32 v22  }
0xd2: {  	v23 =	vadd.f32 $-1.000000000e+00, v26;
	v26 =	vmul.f32 $1.024000000e+03, v6;
	v11 =	vmul.f32 v11, v20  }
0xd3: {  	v7 =	vsub.f32 $1.000000000e+00, v7;
	v20 =	vmul.f32 $1.024000000e+03, v5;
	v19 =	vtrunc.f32 v19  }
0xd4: {  	v27 =	vtrunc.f32 v21;
	v21 =	vshll.u32 v17, $0xD;
	v17 =	vcvt.f32.s32 v22  }
0xd5: {  	vm1 =	vgt.f32 v9, $0.0e+00;
	v19 =	vcvt.f32.s32 v19;
	v22 =	vcvt.f32.s32 v27  }
0xd6: {  	vm0 =	vgt.f32 v10, $0.0e+00;
	v23 =	vmul.f32 v23, v24;
	v24 =	vmul.f32 $1.024000000e+03, v7  }
0xd7: {  	v12 =	vsub.f32 $1.000000000e+00, v11;
	v20 =	vtrunc.f32 v20;
	vm2 =	vgt.s32 v17, $0x0  }
0xd8: {  	v20 =	vcvt.f32.s32 v20;
	vm3 =	vgt.s32 v19, $0x0;
	vm4 =	vgt.s32 v22, $0x0  }
0xd9: {  	v17 =	vnsel vm2, $0x0, v17;
	v11 =	vsub.f32 $1.000000000e+00, v23;
	v23 =	vtrunc.f32 v26  }
0xda: {  	v16 =	vmul.f32 $1.024000000e+03, v12;
	v24 =	vtrunc.f32 v24;
	v19 =	vnsel vm3, $0x0, v19  }
0xdb: {  	v22 =	vnsel vm4, $0x0, v22;
	v23 =	vcvt.f32.s32 v23;
	v24 =	vcvt.f32.s32 v24  }
0xdc: {  	vm6 =	vgt.s32 v20, $0x0;
	v18 =	vmul.f32 $1.024000000e+03, v11;
	v16 =	vtrunc.f32 v16  }
0xdd: {  	v22 =	vmin.u32 v22, $0x1FFF;
	v27 =	vnsel vm6, $0x0, v20;
	v16 =	vcvt.f32.s32 v16  }
0xde: {  	vm5 =	vgt.s32 v23, $0x0;
	vm7 =	vgt.s32 v24, $0x0;
	v18 =	vtrunc.f32 v18  }
0xdf: {  	v26 =	vnsel vm5, $0x0, v23;
	v28 =	vnsel vm7, $0x0, v24;
	v24 =	vmin.u32 v17, $0x1FFF  }
0xe0: {  	v23 =	vmin.u32 v19, $0x1FFF;
	v19 =	vmin.u32 v27, $0x1FFF;
	v18 =	vcvt.f32.s32 v18  }
0xe1: {  	vm8 =	vgt.s32 v16, $0x0;
	v20 =	vmin.u32 v26, $0x1FFF;
	v27 =	vor.u32 v13, v24  }
0xe2: {  	v26 =	vor.u32 v15, v22;
	v16 =	vnsel vm8, $0x0, v16;
	v25 =	vor.u32 v25, v20  }
0xe3: {  	vm2 =	vgt.s32 v18, $0x0;
	v17 =	vmin.u32 v16, $0x1FFF;
	v16 =	vor.u32 v29, v19  }
0xe4: {  	v63 =	vnsel vm2, $0x0, v18;
	v18 =	vmin.u32 v28, $0x1FFF;
	v28 =	vor.u32 v14, v23  }
0xe5: {  	s25 =	simm.s32 $0x0;
	v14 =	vor.u32 v31, v17;
	v13 =	vmin.u32 v63, $0x1FFF;
	v15 =	vor.u32 v30, v18  }
.LBB2_7:
0xe6: {  	v29 =	vadd.s32 v0, v27;
	v27 =	vadd.s32 v3, v27;
	v21 =	vor.u32 v21, v13  }
0xe7: {  	v30 =	vadd.s32 v0, v28;
	v28 =	vadd.s32 v3, v28;
	v31 =	vadd.s32 v0, v26  }
0xe8: {  	v26 =	vadd.s32 v3, v26;
	v32 =	vadd.s32 v0, v25;
	v25 =	vadd.s32 v3, v25  }
0xe9: {  	v33 =	vadd.s32 v0, v16;
	v16 =	vadd.s32 v3, v16;
	v34 =	vadd.s32 v0, v15  }
0xea: {  	v15 =	vadd.s32 v3, v15;
	v35 =	vadd.s32 v0, v14;
	v14 =	vadd.s32 v3, v14  }
0xeb: {  	v29 =	vand.u32 $0xFFFFFF80, v29;
	v36 =	vadd.s32 v0, v21;
	v21 =	vadd.s32 v3, v21  }
0xec: {  	v27 =	vand.u32 $0xFFFFFF80, v27;
	v30 =	vand.u32 $0xFFFFFF80, v30;
	v28 =	vand.u32 $0xFFFFFF80, v28  }
0xed: {  	v31 =	vand.u32 $0xFFFFFF80, v31;
	v26 =	vand.u32 $0xFFFFFF80, v26;
	v32 =	vand.u32 $0xFFFFFF80, v32  }
0xee: {  	v25 =	vand.u32 $0xFFFFFF80, v25;
	v33 =	vand.u32 $0xFFFFFF80, v33;
	v16 =	vand.u32 $0xFFFFFF80, v16  }
0xef: {  	v34 =	vand.u32 $0xFFFFFF80, v34;
	v15 =	vand.u32 $0xFFFFFF80, v15;
	v35 =	vand.u32 $0xFFFFFF80, v35  }
0xf0: {  	s24 =	sadd.s32 $0x80, s24;
	s23 =	sadd.s32 $0x400, s23;
	v14 =	vand.u32 $0xFFFFFF80, v14;
	v36 =	vand.u32 $0xFFFFFF80, v36;
	v21 =	vand.u32 $0xFFFFFF80, v21  }
0xf1: {  	v24 =	vand.u32 $0x7F, v24;
	v23 =	vand.u32 $0x7F, v23;
	v22 =	vand.u32 $0x7F, v22;
	s25 =	sadd.s32 $0x20, s25;
	s26 =	sand.u32 $0x1000, s24;
	s28 =	sand.u32 $0xC00, s23  }
0xf2: {  	v20 =	vand.u32 $0x7F, v20;
	v19 =	vand.u32 $0x7F, v19;
	v18 =	vand.u32 $0x7F, v18;
	p0 =	slt.u32 s24, $0x1F80;
	s26 =	sor.u32 s26, s28;
	s28 =	sand.u32 $0x380, s25  }
0xf3: {  	v17 =	vand.u32 $0x7F, v17;
	v13 =	vand.u32 $0x7F, v13;
	v29 =	vor.u32 v24, v29;
	s26 =	sor.u32 s28, s26  }
0xf4: {  	v24 =	vor.u32 v24, v27;
	v27 =	vor.u32 v23, v30;
	v23 =	vor.u32 v23, v28;
	v37 =	vld [tilespmem:s26+$0x16000]  }
0xf5: {  	v30 =	vor.u32 v22, v31;
	v22 =	vor.u32 v22, v26;
	v26 =	vor.u32 v20, v32;
	v28 =	vld [tilespmem:s26+$0x12000]  }
0xf6: {  	v25 =	vor.u32 v20, v25;
	v32 =	vor.u32 v19, v33;
	v33 =	vor.u32 v19, v16;
	v31 =	vld [tilespmem:s26+$0x16010]  }
0xf7: {  	v34 =	vor.u32 v18, v34;
	v39 =	vor.u32 v18, v15;
	v20 =	vor.u32 v17, v35;
	v38 =	vld [tilespmem:s26+$0x12010]  }
0xf8: {  	v19 =	vor.u32 v17, v14;
	v18 =	vor.u32 v13, v36;
	v17 =	vor.u32 v13, v21;
	v15 =	vld [tilespmem:s26+$0x16020]  }
0xf9: {  	vm7 =	vgt.f32 v8, $0.0e+00;
	v14 =	vcvt.s32.f32 v37;
	v13 =	vshll.u32 v37, $0xD;
	v21 =	vld [tilespmem:s26+$0x12020]  }
0xfa: {  	vm6 =	vgt.f32 v6, $0.0e+00;
	vm5 =	vgt.f32 v5, $0.0e+00;
	vm4 =	vgt.f32 v7, $0.0e+00;
	v16 =	vld [tilespmem:s26+$0x16030]  }
0xfb: {  	v35 =	vadd.f32 v14, v14;
	v4 =	vadd.f32 v14, v4;
	v36 =	vcvt.s32.f32 v31;
	v37 =	vld [tilespmem:s26+$0x12030]  }
0xfc: {  	vm3 =	vgt.f32 v12, $0.0e+00;
	vm2 =	vgt.f32 v11, $0.0e+00;
	v14 =	vshll.u32 v31, $0xD;
	v31 =	vld [tilespmem:s26+$0x16040]  }
0xfd: {  	v40 =	vadd.f32 v36, v36;
	v4 =	vadd.f32 v36, v4;
	v36 =	vcvt.s32.f32 v15;
	v41 =	vld [tilespmem:s26+$0x12040]  }
0xfe: {  	v35 =	vadd.f32 $-1.000000000e+00, v35;
	v15 =	vshll.u32 v15, $0xD;
	v42 =	vld [tilespmem:s26+$0x16050]  }
0xff: {  	v43 =	vadd.f32 v36, v36;
	v4 =	vadd.f32 v36, v4;
	v36 =	vcvt.s32.f32 v16;
	v44 =	vld [tilespmem:s26+$0x12050]  }
0x100: {  	v28 =	vmul.f32 v35, v28;
	v35 =	vadd.f32 $-1.000000000e+00, v40;
	v16 =	vshll.u32 v16, $0xD;
	v40 =	vld [tilespmem:s26+$0x16060]  }
0x101: {  	v45 =	vadd.f32 v36, v36;
	v4 =	vadd.f32 v36, v4;
	v36 =	vcvt.s32.f32 v31;
	v46 =	vld [tilespmem:s26+$0x12060]  }
0x102: {  	v28 =	vsub.f32 $1.000000000e+00, v28;
	v35 =	vmul.f32 v35, v38;
	v38 =	vadd.f32 $-1.000000000e+00, v43;
	v43 =	vld [tilespmem:s26+$0x16070]  }
0x103: {  	v47 =	vadd.f32 v36, v36;
	v4 =	vadd.f32 v36, v4;
	v36 =	vcvt.s32.f32 v42;
	v48 =	vld [tilespmem:s26+$0x12070]  }
0x104: {  	v35 =	vsub.f32 $1.000000000e+00, v35;
	v21 =	vmul.f32 v38, v21;
	v38 =	vadd.f32 $-1.000000000e+00, v45;
	[tilespmem:v29+s4+$0x0] =	vst.idx.add.f32.msk vm1, v2  }
0x105: {  	v29 =	vadd.f32 v36, v36;
	v4 =	vadd.f32 v36, v4;
	v36 =	vcvt.s32.f32 v40;
	[tilespmem:v24+s4+$0x0] =	vst.idx.add.f32.msk vm1, v9  }
0x106: {  	v21 =	vsub.f32 $1.000000000e+00, v21;
	v24 =	vmul.f32 v38, v37;
	v37 =	vadd.f32 $-1.000000000e+00, v47;
	v9 =	vmovc v28;
	[tilespmem:v27+s4+$0x0] =	vst.idx.add.f32.msk vm0, v2  }
0x107: {  	v27 =	vadd.f32 v36, v36;
	v4 =	vadd.f32 v36, v4;
	v28 =	vcvt.s32.f32 v43;
	[tilespmem:v23+s4+$0x0] =	vst.idx.add.f32.msk vm0, v10  }
0x108: {  	v23 =	vsub.f32 $1.000000000e+00, v24;
	v24 =	vmul.f32 v37, v41;
	v29 =	vadd.f32 $-1.000000000e+00, v29;
	v10 =	vmovc v35;
	[tilespmem:v30+s4+$0x0] =	vst.idx.add.f32.msk vm7, v2  }
0x109: {  	v30 =	vmul.f32 $1.024000000e+03, v9;
	v35 =	vadd.f32 v28, v28;
	v4 =	vadd.f32 v28, v4;
	[tilespmem:v22+s4+$0x0] =	vst.idx.add.f32.msk vm7, v8  }
0x10a: {  	v22 =	vsub.f32 $1.000000000e+00, v24;
	v24 =	vmul.f32 v29, v44;
	v27 =	vadd.f32 $-1.000000000e+00, v27;
	v8 =	vmovc v21;
	[tilespmem:v26+s4+$0x0] =	vst.idx.add.f32.msk vm6, v2  }
0x10b: {  	v21 =	vmul.f32 $1.024000000e+03, v10;
	v26 =	vmul.f32 $1.024000000e+03, v8;
	v28 =	vadd.f32 $-1.000000000e+00, v35;
	[tilespmem:v25+s4+$0x0] =	vst.idx.add.f32.msk vm6, v6;
	v6 =	vmovc v23  }
0x10c: {  	v24 =	vsub.f32 $1.000000000e+00, v24;
	v25 =	vmul.f32 v27, v46;
	v23 =	vmul.f32 $1.024000000e+03, v6;
	[tilespmem:v32+s4+$0x0] =	vst.idx.add.f32.msk vm5, v2  }
0x10d: {  	v29 =	vshll.u32 v31, $0xD;
	v27 =	vmul.f32 $1.024000000e+03, v22;
	v28 =	vmul.f32 v28, v48;
	[tilespmem:v33+s4+$0x0] =	vst.idx.add.f32.msk vm5, v5;
	v5 =	vmovc v22  }
0x10e: {  	v22 =	vtrunc.f32 v30;
	v30 =	vmul.f32 $1.024000000e+03, v24;
	v25 =	vsub.f32 $1.000000000e+00, v25;
	[tilespmem:v34+s4+$0x0] =	vst.idx.add.f32.msk vm4, v2  }
0x10f: {  	v31 =	vtrunc.f32 v21;
	v26 =	vtrunc.f32 v26;
	v28 =	vsub.f32 $1.000000000e+00, v28;
	[tilespmem:v39+s4+$0x0] =	vst.idx.add.f32.msk vm4, v7;
	v7 =	vmovc v24  }
0x110: {  	v32 =	vshll.u32 v42, $0xD;
	v23 =	vtrunc.f32 v23;
	v21 =	vmul.f32 $1.024000000e+03, v25;
	[tilespmem:v20+s4+$0x0] =	vst.idx.add.f32.msk vm3, v2  }
0x111: {  	v33 =	vshll.u32 v40, $0xD;
	v20 =	vtrunc.f32 v27;
	v24 =	vmul.f32 $1.024000000e+03, v28;
	[tilespmem:v19+s4+$0x0] =	vst.idx.add.f32.msk vm3, v12;
	v12 =	vmovc v25  }
0x112: {  	v19 =	vtrunc.f32 v30;
	v25 =	vtrunc.f32 v21;
	v21 =	vshll.u32 v43, $0xD;
	[tilespmem:v18+s4+$0x0] =	vst.idx.add.f32.msk vm2, v2  }
0x113: {  	vm1 =	vgt.f32 v9, $0.0e+00;
	v18 =	vcvt.f32.s32 v22;
	v22 =	vtrunc.f32 v24;
	[tilespmem:v17+s4+$0x0] =	vst.idx.add.f32.msk vm2, v11;
	v11 =	vmovc v28  }
0x114: {  	vm0 =	vgt.f32 v10, $0.0e+00;
	v17 =	vcvt.f32.s32 v31;
	v24 =	vcvt.f32.s32 v26  }
0x115: {  	v23 =	vcvt.f32.s32 v23;
	v20 =	vcvt.f32.s32 v20;
	vm2 =	vgt.s32 v18, $0x0  }
0x116: {  	v19 =	vcvt.f32.s32 v19;
	v25 =	vcvt.f32.s32 v25;
	vm3 =	vgt.s32 v17, $0x0  }
0x117: {  	vm5 =	vgt.s32 v23, $0x0;
	v22 =	vcvt.f32.s32 v22;
	vm4 =	vgt.s32 v24, $0x0  }
0x118: {  	vm6 =	vgt.s32 v20, $0x0;
	vm7 =	vgt.s32 v19, $0x0;
	vm8 =	vgt.s32 v25, $0x0  }
0x119: {  	v18 =	vnsel vm2, $0x0, v18;
	v17 =	vnsel vm3, $0x0, v17;
	vm2 =	vgt.s32 v22, $0x0  }
0x11a: {  	v27 =	vnsel vm5, $0x0, v23;
	v28 =	vnsel vm6, $0x0, v20;
	v26 =	vnsel vm4, $0x0, v24  }
0x11b: {  	v30 =	vnsel vm7, $0x0, v19;
	v25 =	vnsel vm8, $0x0, v25;
	v31 =	vnsel vm2, $0x0, v22  }
.Ltmp2:
0x11c: {  	v24 =	vmin.u32 v18, $0x1FFF;
	v23 =	vmin.u32 v17, $0x1FFF;
	v22 =	vmin.u32 v26, $0x1FFF;
	(pc) =	sbr.rel @p0 .LBB2_7-.Ltmp2, $4  }
0x11d: {  	v20 =	vmin.u32 v27, $0x1FFF;
	v19 =	vmin.u32 v28, $0x1FFF;
	v18 =	vmin.u32 v30, $0x1FFF  }
0x11e: {  	v27 =	vor.u32 v13, v24;
	v17 =	vmin.u32 v25, $0x1FFF;
	v13 =	vmin.u32 v31, $0x1FFF  }
0x11f: {  	v25 =	vor.u32 v16, v20;
	v28 =	vor.u32 v14, v23;
	v26 =	vor.u32 v15, v22  }
0x120: {  	v16 =	vor.u32 v29, v19;
	v15 =	vor.u32 v32, v18;
	v14 =	vor.u32 v33, v17  }
0x121: {  	v29 =	vadd.s32 v0, v27;
	v43 =	vadd.s32 v3, v27;
	v21 =	vor.u32 v21, v13  }
0x122: {  	v30 =	vadd.s32 v0, v28;
	v44 =	vadd.s32 v3, v28;
	v31 =	vadd.s32 v0, v26  }
0x123: {  	v45 =	vadd.s32 v3, v26;
	v32 =	vadd.s32 v0, v25;
	v46 =	vadd.s32 v3, v25  }
0x124: {  	v33 =	vadd.s32 v0, v16;
	v47 =	vadd.s32 v3, v16;
	v24 =	vand.u32 $0x7F, v24  }
0x125: {  	v23 =	vand.u32 $0x7F, v23;
	v22 =	vand.u32 $0x7F, v22;
	vm2 =	vgt.f32 v8, $0.0e+00  }
0x126: {  	v20 =	vand.u32 $0x7F, v20;
	vm3 =	vgt.f32 v6, $0.0e+00;
	v29 =	vand.u32 $0xFFFFFF80, v29  }
0x127: {  	v54 =	vand.u32 $0x7F, v19;
	v30 =	vand.u32 $0xFFFFFF80, v30;
	v29 =	vor.u32 v24, v29  }
0x128: {  	vm12 =	vgt.f32 v5, $0.0e+00;
	v51 =	vand.u32 $0xFFFFFF80, v31;
	v30 =	vor.u32 v23, v30  }
0x129: {  	v27 =	vand.u32 $0xFFFFFF80, v43;
	v52 =	vand.u32 $0xFFFFFF80, v32;
	v28 =	vor.u32 v22, v51  }
0x12a: {  	v53 =	vand.u32 $0xFFFFFF80, v33;
	v24 =	vor.u32 v24, v27;
	v27 =	vor.u32 v20, v52  }
0x12b: {  	v34 =	vadd.s32 v0, v15;
	v48 =	vadd.s32 v3, v15;
	v57 =	vor.u32 v54, v53  }
0x12c: {  	v35 =	vadd.s32 v0, v14;
	v49 =	vadd.s32 v3, v14;
	v50 =	vand.u32 $0xFFFFFF80, v44;
	[tilespmem:v29+s4+$0x0] =	vst.idx.add.f32.msk vm1, v2  }
0x12d: {  	v58 =	vand.u32 $0x7F, v18;
	v26 =	vand.u32 $0xFFFFFF80, v45;
	v23 =	vor.u32 v23, v50;
	[tilespmem:v30+s4+$0x0] =	vst.idx.add.f32.msk vm0, v2  }
0x12e: {  	vm13 =	vgt.f32 v7, $0.0e+00;
	v25 =	vand.u32 $0xFFFFFF80, v46;
	v22 =	vor.u32 v22, v26;
	[tilespmem:v28+s4+$0x0] =	vst.idx.add.f32.msk vm2, v2  }
0x12f: {  	v60 =	vand.u32 $0x7F, v17;
	v56 =	vand.u32 $0xFFFFFF80, v34;
	v55 =	vor.u32 v20, v25;
	[tilespmem:v27+s4+$0x0] =	vst.idx.add.f32.msk vm3, v2  }
0x130: {  	vm14 =	vgt.f32 v12, $0.0e+00;
	v16 =	vand.u32 $0xFFFFFF80, v47;
	v18 =	vor.u32 v58, v56;
	[tilespmem:v57+s4+$0x0] =	vst.idx.add.f32.msk vm12, v2  }
0x131: {  	vm15 =	vgt.f32 v11, $0.0e+00;
	v15 =	vand.u32 $0xFFFFFF80, v48;
	[tilespmem:v24+s4+$0x0] =	vst.idx.add.f32.msk vm1, v9;
	v9 =	vor.u32 v54, v16  }
0x132: {  	v36 =	vadd.s32 v0, v21;
	v59 =	vand.u32 $0xFFFFFF80, v35;
	[tilespmem:v23+s4+$0x0] =	vst.idx.add.f32.msk vm0, v10;
	v10 =	vor.u32 v58, v15  }
0x133: {  	v21 =	vadd.s32 v3, v21;
	v14 =	vand.u32 $0xFFFFFF80, v49;
	[tilespmem:v22+s4+$0x0] =	vst.idx.add.f32.msk vm2, v8;
	v16 =	vor.u32 v60, v59  }
0x134: {  	v61 =	vand.u32 $0xFFFFFF80, v36;
	[tilespmem:v55+s4+$0x0] =	vst.idx.add.f32.msk vm3, v6;
	v6 =	vand.u32 $0x7F, v13;
	v8 =	vor.u32 v60, v14  }
0x135: {  	s22 =	sadd.s32 $0x1, s22;
	v62 =	vand.u32 $0xFFFFFF80, v21;
	[tilespmem:v18+s4+$0x0] =	vst.idx.add.f32.msk vm13, v2;
	v63 =	vor.u32 v6, v61  }
0x136: {  	p0 =	sne.s32 s22, $0x8;
	[tilespmem:v9+s4+$0x0] =	vst.idx.add.f32.msk vm12, v5;
	v5 =	vor.u32 v6, v62  }
.Ltmp3:
0x137: {  	[tilespmem:v10+s4+$0x0] =	vst.idx.add.f32.msk vm13, v7;
	(pc) =	sbr.rel @p0 .LBB2_4-.Ltmp3, $4  }
0x138: {  	[tilespmem:v16+s4+$0x0] =	vst.idx.add.f32.msk vm14, v2  }
0x139: {  	[tilespmem:v8+s4+$0x0] =	vst.idx.add.f32.msk vm14, v12  }
0x13a: {  	[tilespmem:v63+s4+$0x0] =	vst.idx.add.f32.msk vm15, v2  }
0x13b: {  	[tilespmem:v5+s4+$0x0] =	vst.idx.add.f32.msk vm15, v11  }
0x13c: {  	s21 =	simm.s32 $0x8070  }
0x13d: {  	v6 =	vld [tilespmem:s21+$0xFFFF8000]  }
0x13e: {  	v7 =	vld [tilespmem:s21+$0x0]  }
0x13f: {  	v5 =	vld [tilespmem:s21+$0xFFFFFF90]  }
0x140: {  	v8 =	vld [tilespmem:s21+$0xFFFF7FA0]  }
0x141: {  	v9 =	vld [tilespmem:s21+$0xFFFFFFA0]  }
0x142: {  	v10 =	vld [tilespmem:s21+$0xFFFF7FB0]  }
0x143: {  	v11 =	vld [tilespmem:s21+$0xFFFFFFB0]  }
0x144: {  	v12 =	vld [tilespmem:s21+$0xFFFF7FC0]  }
0x145: {  	v13 =	vld [tilespmem:s21+$0xFFFFFFC0]  }
0x146: {  	v14 =	vld [tilespmem:s21+$0xFFFF7FD0]  }
0x147: {  	v15 =	vld [tilespmem:s21+$0xFFFFFFD0];
	v7 =	vadd.f32 v7, v6  }
0x148: {  	v9 =	vadd.f32 v9, v8;
	v6 =	vld [tilespmem:s21+$0xFFFF7FE0]  }
0x149: {  	v10 =	vadd.f32 v11, v10;
	v8 =	vld [tilespmem:s21+$0xFFFFFFE0];
	[tilespmem:s21+$0xFFFF8000] =	vst v7  }
0x14a: {  	v11 =	vadd.f32 v13, v12;
	[tilespmem:s21+$0xFFFF7FA0] =	vst v9;
	v7 =	vld [tilespmem:s21+$0xFFFF7FF0]  }
0x14b: {  	[tilespmem:s21+$0xFFFF7FB0] =	vst v10;
	v10 =	vld [tilespmem:s21+$0xFFFFFFF0]  }
0x14c: {  	s22 =	simm.s32 $0x0;
	s23 =	simm.s32 $0x80F0;
	v9 =	vld [tilespmem:s21+$0xFFFF7F90];
	[tilespmem:s21+$0xFFFF7FC0] =	vst v11;
	v11 =	vadd.f32 v15, v14  }
.LBB2_10:
0x14d: {  	v12 =	vld [tilespmem:s23+$0xFFFF8000]  }
0x14e: {  	s22 =	sadd.s32 $0x80, s22;
	v13 =	vld [tilespmem:s23+$0x0];
	[tilespmem:s21+$0xFFFF7FD0] =	vst v11;
	v6 =	vadd.f32 v8, v6  }
0x14f: {  	p0 =	slt.u32 s22, $0x7F80;
	v8 =	vld [tilespmem:s23+$0xFFFFFF90]  }
0x150: {  	v11 =	vld [tilespmem:s23+$0xFFFF7FA0];
	[tilespmem:s21+$0xFFFF7FE0] =	vst v6;
	v6 =	vadd.f32 v10, v7  }
0x151: {  	v7 =	vld [tilespmem:s23+$0xFFFFFFA0];
	v14 =	vadd.f32 v5, v9  }
0x152: {  	v9 =	vld [tilespmem:s23+$0xFFFF7FB0];
	[tilespmem:s21+$0xFFFF7FF0] =	vst v6  }
0x153: {  	v6 =	vld [tilespmem:s23+$0xFFFFFFB0];
	v10 =	vadd.f32 v13, v12;
	[tilespmem:s21+$0xFFFF7F90] =	vst v14;
	s21 =	smov.u32 s23  }
0x154: {  	v12 =	vld [tilespmem:s23+$0xFFFF7FC0];
	v5 =	vmov v8  }
0x155: {  	v13 =	vld [tilespmem:s23+$0xFFFFFFC0];
	[tilespmem:s23+$0xFFFF8000] =	vst v10  }
0x156: {  	v7 =	vadd.f32 v7, v11;
	v11 =	vld [tilespmem:s23+$0xFFFF7FD0]  }
0x157: {  	v14 =	vld [tilespmem:s23+$0xFFFFFFD0]  }
.Ltmp4:
0x158: {  	[tilespmem:s23+$0xFFFF7FA0] =	vst v7;
	v7 =	vadd.f32 v6, v9;
	v6 =	vld [tilespmem:s23+$0xFFFF7FE0];
	(pc) =	sbr.rel @p0 .LBB2_10-.Ltmp4, $4  }
0x159: {  	v8 =	vld [tilespmem:s23+$0xFFFFFFE0]  }
0x15a: {  	[tilespmem:s23+$0xFFFF7FB0] =	vst v7;
	v12 =	vadd.f32 v13, v12;
	v7 =	vld [tilespmem:s23+$0xFFFF7FF0]  }
0x15b: {  	v10 =	vld [tilespmem:s23+$0xFFFFFFF0]  }
0x15c: {  	s23 =	sadd.s32 $0x80, s23;
	v9 =	vld [tilespmem:s21+$0xFFFF7F90];
	[tilespmem:s21+$0xFFFF7FC0] =	vst v12;
	v11 =	vadd.f32 v14, v11  }
0x15d: {  	_ =	sdelay $0x1  }
0x15e: {  	v6 =	vadd.f32 v8, v6  }
0x15f: {  	[tilespmem:s21+$0xFFFF7FD0] =	vst v11;
	v7 =	vadd.f32 v10, v7  }
0x160: {  	[tilespmem:s21+$0xFFFF7FE0] =	vst v6;
	v5 =	vadd.f32 v5, v9  }
0x161: {  	s20 =	sadd.s32 $0x1, s20;
	[tilespmem:s21+$0xFFFF7FF0] =	vst v7  }
0x162: {  	p0 =	sne.s32 s20, s10;
	[tilespmem:s21+$0xFFFF7F90] =	vst v5  }
.Ltmp5:
0x163: {  	[tilespmem:$0x8000] =	vst v4;
	(pc) =	sbr.rel @p0 .LBB2_1-.Ltmp5, $4  }
0x164: {  	[hbm4b:s9+s4] =	stream.linear.scatter [tilespmem:s4], [sflag:$0x5], $0x8010, $0x38;
	[tilespmem:$0x18000] =	vst v63  }
0x165: {  	_ =	swait.ge [sflag:s19], $0x8010  }
0x166: {  	[sflag:s19] =	ssyncset.done $0x0  }
0x167: {  	[sflag:s19] =	ssyncadd.s32 $0xFFFF7FF0  }
0x168: {  	_ =	sfence.sel $0x180000  }
0x169: {  	[bflag:$0x0] =	sbarrier.arrive $0xFFFF  }
0x16a: {  	p0 =	sne.s32 s0, $0x0;
	_ =	strace $0x90000047  }
0x16b: {  	s0 =	sadd.s32 @!p0 $0x100000, s2;
	[bflag:$0x2] =	sbarrier.arrive $0xFFFF  }
0x16c: {  	[sflag:s0] =	ssyncadd.tile.s32 @!p0 $0x1;
	_ =	shalt  }
.Lfunc_end2:
_tile_overlayer_lowered:
.L_overlay_start_2:
0x16d: {  	(tag) =	ssettag $0x2  }
0x16e: {  	s0 =	rddreg [dreg:$0x0];
	s2 =	stileid.u32  }
0x16f: {  	s1 =	rddreg [dreg:$0x1];
	p0 =	sne.s32 s2, $0x0  }
0x170: {  	s3 =	rddreg [dreg:$0x2];
	[bflag:$0x3] =	sbarrier.arrive $0xFFFF;
	s2 =	simm.s32 @!p0 $0x1C05  }
0x171: {  	[timem:s3], [sflag:s2] =	dma.local @!p0 [hbm:s0], s1  }
0x172: {  	s0 =	simm.s32 @!p0 $0x5  }
0x173: {  	_ =	swait.ge @!p0 [sflag:s0], s1  }
0x174: {  	s1 =	ssub.s32 @!p0 $0x0, s1;
	[sflag:s0] =	ssyncset.done @!p0 $0x0  }
0x175: {  	[sflag:s0] =	ssyncadd.s32 @!p0 s1  }
0x176: {  	[bflag:$0x3] =	sbarrier.arrive $0xFFFF  }
0x177: {  	_ =	shalt  }

</sc_bundles>
